<compile_context>
chip_gen: v7x
topology: tpu7x:2x2x1
jax: 0.10.2.dev20260603
libtpu: 0.0.44.dev20260713+nightly
codegen_flags: <defaults>
</compile_context>

<pallas_src>
import functools

import jax
import jax.numpy as jnp
from jax.experimental import pallas as pl
from jax.experimental.pallas import tpu as pltpu
from jax.experimental.pallas import tpu_sc as plsc

BATCH = 4096
SEQ = 200
EMBED = 64
NFLAT = BATCH * SEQ
WIN = 128
LANES = 16
NWORK = 32
STEPS = NFLAT // WIN // NWORK


def _prep_body(seg_label_ref, seg_table_ref, pos_table_ref, comb_ref, cidx_ref):
    pos = pos_table_ref[...]
    seg = seg_table_ref[...]
    comb_ref[...] = pos + seg[:, None, :]
    s_iota = jax.lax.broadcasted_iota(jnp.int32, cidx_ref.shape, 1)
    cidx_ref[...] = seg_label_ref[...] * SEQ + s_iota


_prep = pl.pallas_call(
    _prep_body,
    out_shape=[
        jax.ShapeDtypeStruct((3, SEQ, EMBED), jnp.float32),
        jax.ShapeDtypeStruct((BATCH, SEQ), jnp.int32),
    ],
)


def _embed_kernel(tok_hbm, comb_hbm, seq_hbm, cidx_hbm, out_hbm,
                  comb_tbl,
                  idx_a0, idx_a1, idx_b0, idx_b1,
                  tok0, tok1, cmb0, cmb1, ob0, ob1,
                  sem_i0, sem_i1, sem_gt0, sem_gt1,
                  sem_gc0, sem_gc1, sem_o0, sem_o1):
    @pl.when(jax.lax.axis_index("subcore") == 0)
    def _():
        pltpu.sync_copy(comb_hbm, comb_tbl)

    plsc.subcore_barrier()

    wid = jax.lax.axis_index("subcore") * 2 + jax.lax.axis_index("core")
    base = wid * STEPS

    slots = (
        (idx_a0, idx_b0, tok0, cmb0, ob0, sem_i0, sem_gt0, sem_gc0, sem_o0),
        (idx_a1, idx_b1, tok1, cmb1, ob1, sem_i1, sem_gt1, sem_gc1, sem_o1),
    )

    def issue_gathers(slot):
        idx_a, idx_b, tok, cmb, _, _, sem_gt, sem_gc, _ = slot
        pltpu.async_copy(tok_hbm.at[idx_a], tok, sem_gt)
        pltpu.async_copy(comb_tbl.at[idx_b], cmb, sem_gc)

    def wait_gathers(slot):
        idx_a, idx_b, tok, cmb, _, _, sem_gt, sem_gc, _ = slot
        pltpu.make_async_copy(tok_hbm.at[idx_a], tok, sem_gt).wait()
        pltpu.make_async_copy(comb_tbl.at[idx_b], cmb, sem_gc).wait()

    def issue_idx(k, slot):
        idx_a, idx_b, _, _, _, sem_i, _, _, _ = slot
        off = (base + k) * WIN
        pltpu.async_copy(seq_hbm.at[pl.ds(off, WIN)], idx_a, sem_i)
        pltpu.async_copy(cidx_hbm.at[pl.ds(off, WIN)], idx_b, sem_i)

    def wait_idx(slot):
        idx_a, idx_b, _, _, _, sem_i, _, _, _ = slot
        pltpu.make_async_copy(seq_hbm.at[pl.ds(0, WIN)], idx_a, sem_i).wait()
        pltpu.make_async_copy(cidx_hbm.at[pl.ds(0, WIN)], idx_b, sem_i).wait()

    def wait_out(k, slot):
        _, _, _, _, ob, _, _, _, sem_o = slot
        row0 = (base + k) * WIN
        pltpu.make_async_copy(
            ob, out_hbm.at[pl.ds(row0, WIN)], sem_o
        ).wait()

    for s in range(2):
        idx_a, idx_b, _, _, _, _, _, _, _ = slots[s]
        off = (base + s) * WIN
        pltpu.sync_copy(seq_hbm.at[pl.ds(off, WIN)], idx_a)
        pltpu.sync_copy(cidx_hbm.at[pl.ds(off, WIN)], idx_b)
        issue_gathers(slots[s])

    def stage(k, s):
        slot = slots[s]
        _, _, tok, cmb, ob, _, _, _, sem_o = slot
        wait_gathers(slot)

        @pl.when(k + 2 < STEPS)
        def _():
            issue_idx(k + 2, slot)

        @pl.when(k >= 2)
        def _():
            wait_out(k - 2, slot)

        @pl.loop(0, WIN, step=4)
        def _(r):
            for rr in range(4):
                for j in range(EMBED // LANES):
                    slc = (pl.ds(r + rr, 1), pl.ds(j * LANES, LANES))
                    ob.at[slc][...] = tok.at[slc][...] + cmb.at[slc][...]

        row0 = (base + k) * WIN
        pltpu.async_copy(ob, out_hbm.at[pl.ds(row0, WIN)], sem_o)

        @pl.when(k + 2 < STEPS)
        def _():
            wait_idx(slot)
            issue_gathers(slot)

    @pl.loop(0, STEPS, step=2)
    def _(k):
        stage(k, 0)
        stage(k + 1, 1)

    wait_out(STEPS - 2, slots[0])
    wait_out(STEPS - 1, slots[1])


def _make_embed():
    mesh = plsc.VectorSubcoreMesh(
        core_axis_name="core", subcore_axis_name="subcore"
    )
    return pl.kernel(
        _embed_kernel,
        out_type=jax.ShapeDtypeStruct((NFLAT, EMBED), jnp.float32),
        mesh=mesh,
        compiler_params=pltpu.CompilerParams(use_tc_tiling_on_sc=False),
        scratch_types=[
            pltpu.VMEM_SHARED((3 * SEQ, EMBED), jnp.float32),
            pltpu.VMEM((WIN,), jnp.int32),
            pltpu.VMEM((WIN,), jnp.int32),
            pltpu.VMEM((WIN,), jnp.int32),
            pltpu.VMEM((WIN,), jnp.int32),
            pltpu.VMEM((WIN, EMBED), jnp.float32),
            pltpu.VMEM((WIN, EMBED), jnp.float32),
            pltpu.VMEM((WIN, EMBED), jnp.float32),
            pltpu.VMEM((WIN, EMBED), jnp.float32),
            pltpu.VMEM((WIN, EMBED), jnp.float32),
            pltpu.VMEM((WIN, EMBED), jnp.float32),
        ] + [pltpu.SemaphoreType.DMA] * 8,
    )


_embed = _make_embed()


@jax.jit
def kernel(sequence, segment_label, token_table, segment_table, pos_table):
    comb, cidx = _prep(
        segment_label.astype(jnp.int32), segment_table, pos_table
    )
    out = _embed(
        token_table,
        comb.reshape(3 * SEQ, EMBED),
        sequence.astype(jnp.int32).reshape(NFLAT),
        cidx.reshape(NFLAT),
    )
    return out.reshape(BATCH, SEQ, EMBED)

# --- scband reference (transcript-rebuilt; emitter-appended) ---
"""Pipeline reference for scband-bertembedding-74509092651409 (READ-ONLY COPY).

The authoritative reference and input builder live on the scoring server;
editing this copy changes nothing except your own understanding.
"""

import jax, jax.numpy as jnp
import numpy as np

VOCAB = 1000000
EMBED = 64
SEQ_LEN = 200
BATCH = 4096


def _sinusoid_table(n_position, d_hid):
    pos = np.arange(n_position, dtype=np.float64)[:, None]
    div = np.power(10000.0, 2.0 * (np.arange(d_hid) // 2) / d_hid)[None, :]
    table = pos / div
    table[:, 0::2] = np.sin(table[:, 0::2])
    table[:, 1::2] = np.cos(table[:, 1::2])
    return jnp.asarray(table[None], dtype=jnp.float32)  # [1, n_position, d_hid]


def setup_inputs(seed: int = 0) -> dict:
    key = jax.random.key(seed)
    k1, k2, k3, k4 = jax.random.split(key, 4)
    sequence = jax.random.randint(k1, (BATCH, SEQ_LEN), 0, VOCAB, dtype=jnp.int64 if jax.config.jax_enable_x64 else jnp.int32)
    segment_label = jax.random.randint(k2, (BATCH, SEQ_LEN), 0, 3, dtype=jnp.int64 if jax.config.jax_enable_x64 else jnp.int32)
    token_table = jax.random.normal(k3, (VOCAB, EMBED), dtype=jnp.float32) * 0.02
    token_table = token_table.at[0].set(0.0)  # padding_idx=0
    segment_table = jax.random.normal(k4, (3, EMBED), dtype=jnp.float32) * 0.02
    segment_table = segment_table.at[0].set(0.0)  # padding_idx=0
    pos_table = _sinusoid_table(SEQ_LEN, EMBED)
    return {
        "sequence": sequence,
        "segment_label": segment_label,
        "token_table": token_table,
        "segment_table": segment_table,
        "pos_table": pos_table,
    }


def reference(sequence, segment_label, token_table, segment_table, pos_table):
    # token embedding gather
    tok = jnp.take(token_table, sequence, axis=0)            # [B, S, D]
    # sinusoidal positional encoding (buffer, broadcast over batch)
    pos = pos_table[:, : sequence.shape[1], :]               # [1, S, D]
    # segment embedding gather
    seg = jnp.take(segment_table, segment_label, axis=0)     # [B, S, D]
    x = tok + pos + seg
    # dropout is identity in eval mode
    return x

if __name__ == "__main__":
    import jax
    _d = setup_inputs()
    print(jax.jit(kernel)(*tuple(_d.values())))

</pallas_src>

<mosaic_0001>
#map = affine_map<(d0, d1) -> (0, 0)>
#map1 = affine_map<(d0, d1) -> (0)>
module attributes {stable_mosaic.version = 14 : i64} {
  func.func @_embed_kernel(%arg0: i32, %arg1: i32, %arg2: memref<1000000x64xf32, #tpu.memory_space<hbm>>, %arg3: memref<600x64xf32, #tpu.memory_space<hbm>>, %arg4: memref<819200xi32, #tpu.memory_space<hbm>>, %arg5: memref<819200xi32, #tpu.memory_space<hbm>>, %arg6: memref<819200x64xf32, #tpu.memory_space<hbm>>, %arg7: memref<600x64xf32, #tpu.memory_space<vmem_shared>>, %arg8: memref<128xi32, #tpu.memory_space<vmem>>, %arg9: memref<128xi32, #tpu.memory_space<vmem>>, %arg10: memref<128xi32, #tpu.memory_space<vmem>>, %arg11: memref<128xi32, #tpu.memory_space<vmem>>, %arg12: memref<128x64xf32, #tpu.memory_space<vmem>>, %arg13: memref<128x64xf32, #tpu.memory_space<vmem>>, %arg14: memref<128x64xf32, #tpu.memory_space<vmem>>, %arg15: memref<128x64xf32, #tpu.memory_space<vmem>>, %arg16: memref<128x64xf32, #tpu.memory_space<vmem>>, %arg17: memref<128x64xf32, #tpu.memory_space<vmem>>, %arg18: memref<!tpu.dma_semaphore, #tpu.memory_space<semaphore_mem>>, %arg19: memref<!tpu.dma_semaphore, #tpu.memory_space<semaphore_mem>>, %arg20: memref<!tpu.dma_semaphore, #tpu.memory_space<semaphore_mem>>, %arg21: memref<!tpu.dma_semaphore, #tpu.memory_space<semaphore_mem>>, %arg22: memref<!tpu.dma_semaphore, #tpu.memory_space<semaphore_mem>>, %arg23: memref<!tpu.dma_semaphore, #tpu.memory_space<semaphore_mem>>, %arg24: memref<!tpu.dma_semaphore, #tpu.memory_space<semaphore_mem>>, %arg25: memref<!tpu.dma_semaphore, #tpu.memory_space<semaphore_mem>>) attributes {dimension_semantics = [#tpu.dimension_semantics<core_parallel>, #tpu.dimension_semantics<subcore_parallel>], iteration_bounds = array<i64: 2, 16>, scalar_prefetch = 0 : i64, scratch_operands = 19 : i64, tpu.core_type = #tpu.core_type<sc_vector_subcore>, window_params = [{transform_indices = #map}, {transform_indices = #map}, {transform_indices = #map1}, {transform_indices = #map1}, {transform_indices = #map}]} {
    %eq3A = arith.constant 0 : i32
    %eq3A_0 = arith.cmpi eq, %arg1, %eq3A : i32
    %convert_element_type3A = arith.extui %eq3A_0 : i1 to i32
    %cond3A = arith.constant 0 : i32
    %cond3A_1 = arith.cmpi ne, %convert_element_type3A, %cond3A : i32
    scf.if %cond3A_1 {
      "tpu.region"() ({
        %run_scoped3A = tpu.sem_alloc : memref<!tpu.dma_semaphore, #tpu.memory_space<semaphore_mem>>
        tpu.enqueue_dma source(%arg3 : memref<600x64xf32, #tpu.memory_space<hbm>>) target(%arg7 : memref<600x64xf32, #tpu.memory_space<vmem_shared>>) target_semaphore(%run_scoped3A : memref<!tpu.dma_semaphore, #tpu.memory_space<semaphore_mem>>)
        tpu.wait_dma2 semaphore(%run_scoped3A : memref<!tpu.dma_semaphore, #tpu.memory_space<semaphore_mem>>) src(%arg3 : memref<600x64xf32, #tpu.memory_space<hbm>>) dst(%arg7 : memref<600x64xf32, #tpu.memory_space<vmem_shared>>)
        tpu.yield
      }) : () -> ()
    } else {
    }
    %barrier3A = arith.constant 0 : index
    tpu.barrier barrier_id(%barrier3A)
    %mul3A = arith.constant 2 : i32
    %mul3A_2 = arith.muli %arg1, %mul3A : i32
    %add3A = arith.addi %mul3A_2, %arg0 : i32
    %mul3A_3 = arith.constant 200 : i32
    %mul3A_4 = arith.muli %add3A, %mul3A_3 : i32
    %add3A_5 = arith.constant 0 : i32
    %add3A_6 = arith.addi %mul3A_4, %add3A_5 : i32
    %mul3A_7 = arith.constant 128 : i32
    %mul3A_8 = arith.muli %add3A_6, %mul3A_7 : i32
    "tpu.region"() ({
      %run_scoped3A = tpu.sem_alloc : memref<!tpu.dma_semaphore, #tpu.memory_space<semaphore_mem>>
      %dma_start3A_43 = tpu.memref_slice %arg4[%mul3A_8] : memref<819200xi32, #tpu.memory_space<hbm>> -> memref<128xi32, #tpu.memory_space<hbm>>
      %dma_start3A_44 = tpu.memref_slice %arg4[%mul3A_8] : memref<819200xi32, #tpu.memory_space<hbm>> -> memref<128xi32, #tpu.memory_space<hbm>>
      tpu.enqueue_dma source(%dma_start3A_44 : memref<128xi32, #tpu.memory_space<hbm>>) target(%arg8 : memref<128xi32, #tpu.memory_space<vmem>>) target_semaphore(%run_scoped3A : memref<!tpu.dma_semaphore, #tpu.memory_space<semaphore_mem>>)
      %dma_wait3A_45 = tpu.memref_slice %arg4[%mul3A_8] : memref<819200xi32, #tpu.memory_space<hbm>> -> memref<128xi32, #tpu.memory_space<hbm>>
      %dma_wait3A_46 = tpu.memref_slice %arg4[%mul3A_8] : memref<819200xi32, #tpu.memory_space<hbm>> -> memref<128xi32, #tpu.memory_space<hbm>>
      tpu.wait_dma2 semaphore(%run_scoped3A : memref<!tpu.dma_semaphore, #tpu.memory_space<semaphore_mem>>) src(%dma_wait3A_46 : memref<128xi32, #tpu.memory_space<hbm>>) dst(%arg8 : memref<128xi32, #tpu.memory_space<vmem>>)
      tpu.yield
    }) : () -> ()
    "tpu.region"() ({
      %run_scoped3A = tpu.sem_alloc : memref<!tpu.dma_semaphore, #tpu.memory_space<semaphore_mem>>
      %dma_start3A_43 = tpu.memref_slice %arg5[%mul3A_8] : memref<819200xi32, #tpu.memory_space<hbm>> -> memref<128xi32, #tpu.memory_space<hbm>>
      %dma_start3A_44 = tpu.memref_slice %arg5[%mul3A_8] : memref<819200xi32, #tpu.memory_space<hbm>> -> memref<128xi32, #tpu.memory_space<hbm>>
      tpu.enqueue_dma source(%dma_start3A_44 : memref<128xi32, #tpu.memory_space<hbm>>) target(%arg10 : memref<128xi32, #tpu.memory_space<vmem>>) target_semaphore(%run_scoped3A : memref<!tpu.dma_semaphore, #tpu.memory_space<semaphore_mem>>)
      %dma_wait3A_45 = tpu.memref_slice %arg5[%mul3A_8] : memref<819200xi32, #tpu.memory_space<hbm>> -> memref<128xi32, #tpu.memory_space<hbm>>
      %dma_wait3A_46 = tpu.memref_slice %arg5[%mul3A_8] : memref<819200xi32, #tpu.memory_space<hbm>> -> memref<128xi32, #tpu.memory_space<hbm>>
      tpu.wait_dma2 semaphore(%run_scoped3A : memref<!tpu.dma_semaphore, #tpu.memory_space<semaphore_mem>>) src(%dma_wait3A_46 : memref<128xi32, #tpu.memory_space<hbm>>) dst(%arg10 : memref<128xi32, #tpu.memory_space<vmem>>)
      tpu.yield
    }) : () -> ()
    %dma_start3A = arith.constant 0 : i32
    %dma_start3A_9 = arith.constant 0 : i32
    %dma_start3A_10 = tpu.memref_slice %arg2[%dma_start3A, %dma_start3A_9] : memref<1000000x64xf32, #tpu.memory_space<hbm>> -> memref<1000000x64xf32, #tpu.memory_space<hbm>>
    tpu.enqueue_indirect_dma source(%dma_start3A_10 : memref<1000000x64xf32, #tpu.memory_space<hbm>>) target(%arg12 : memref<128x64xf32, #tpu.memory_space<vmem>>) offsets(%arg8 : memref<128xi32, #tpu.memory_space<vmem>>) semaphore(%arg20 : memref<!tpu.dma_semaphore, #tpu.memory_space<semaphore_mem>>)
    %dma_start3A_11 = arith.constant 0 : i32
    %dma_start3A_12 = arith.constant 0 : i32
    %dma_start3A_13 = tpu.memref_slice %arg7[%dma_start3A_11, %dma_start3A_12] : memref<600x64xf32, #tpu.memory_space<vmem_shared>> -> memref<600x64xf32, #tpu.memory_space<vmem_shared>>
    tpu.enqueue_indirect_dma source(%dma_start3A_13 : memref<600x64xf32, #tpu.memory_space<vmem_shared>>) target(%arg14 : memref<128x64xf32, #tpu.memory_space<vmem>>) offsets(%arg10 : memref<128xi32, #tpu.memory_space<vmem>>) semaphore(%arg22 : memref<!tpu.dma_semaphore, #tpu.memory_space<semaphore_mem>>)
    %add3A_14 = arith.constant 1 : i32
    %add3A_15 = arith.addi %mul3A_4, %add3A_14 : i32
    %mul3A_16 = arith.constant 128 : i32
    %mul3A_17 = arith.muli %add3A_15, %mul3A_16 : i32
    "tpu.region"() ({
      %run_scoped3A = tpu.sem_alloc : memref<!tpu.dma_semaphore, #tpu.memory_space<semaphore_mem>>
      %dma_start3A_43 = tpu.memref_slice %arg4[%mul3A_17] : memref<819200xi32, #tpu.memory_space<hbm>> -> memref<128xi32, #tpu.memory_space<hbm>>
      %dma_start3A_44 = tpu.memref_slice %arg4[%mul3A_17] : memref<819200xi32, #tpu.memory_space<hbm>> -> memref<128xi32, #tpu.memory_space<hbm>>
      tpu.enqueue_dma source(%dma_start3A_44 : memref<128xi32, #tpu.memory_space<hbm>>) target(%arg9 : memref<128xi32, #tpu.memory_space<vmem>>) target_semaphore(%run_scoped3A : memref<!tpu.dma_semaphore, #tpu.memory_space<semaphore_mem>>)
      %dma_wait3A_45 = tpu.memref_slice %arg4[%mul3A_17] : memref<819200xi32, #tpu.memory_space<hbm>> -> memref<128xi32, #tpu.memory_space<hbm>>
      %dma_wait3A_46 = tpu.memref_slice %arg4[%mul3A_17] : memref<819200xi32, #tpu.memory_space<hbm>> -> memref<128xi32, #tpu.memory_space<hbm>>
      tpu.wait_dma2 semaphore(%run_scoped3A : memref<!tpu.dma_semaphore, #tpu.memory_space<semaphore_mem>>) src(%dma_wait3A_46 : memref<128xi32, #tpu.memory_space<hbm>>) dst(%arg9 : memref<128xi32, #tpu.memory_space<vmem>>)
      tpu.yield
    }) : () -> ()
    "tpu.region"() ({
      %run_scoped3A = tpu.sem_alloc : memref<!tpu.dma_semaphore, #tpu.memory_space<semaphore_mem>>
      %dma_start3A_43 = tpu.memref_slice %arg5[%mul3A_17] : memref<819200xi32, #tpu.memory_space<hbm>> -> memref<128xi32, #tpu.memory_space<hbm>>
      %dma_start3A_44 = tpu.memref_slice %arg5[%mul3A_17] : memref<819200xi32, #tpu.memory_space<hbm>> -> memref<128xi32, #tpu.memory_space<hbm>>
      tpu.enqueue_dma source(%dma_start3A_44 : memref<128xi32, #tpu.memory_space<hbm>>) target(%arg11 : memref<128xi32, #tpu.memory_space<vmem>>) target_semaphore(%run_scoped3A : memref<!tpu.dma_semaphore, #tpu.memory_space<semaphore_mem>>)
      %dma_wait3A_45 = tpu.memref_slice %arg5[%mul3A_17] : memref<819200xi32, #tpu.memory_space<hbm>> -> memref<128xi32, #tpu.memory_space<hbm>>
      %dma_wait3A_46 = tpu.memref_slice %arg5[%mul3A_17] : memref<819200xi32, #tpu.memory_space<hbm>> -> memref<128xi32, #tpu.memory_space<hbm>>
      tpu.wait_dma2 semaphore(%run_scoped3A : memref<!tpu.dma_semaphore, #tpu.memory_space<semaphore_mem>>) src(%dma_wait3A_46 : memref<128xi32, #tpu.memory_space<hbm>>) dst(%arg11 : memref<128xi32, #tpu.memory_space<vmem>>)
      tpu.yield
    }) : () -> ()
    %dma_start3A_18 = arith.constant 0 : i32
    %dma_start3A_19 = arith.constant 0 : i32
    %dma_start3A_20 = tpu.memref_slice %arg2[%dma_start3A_18, %dma_start3A_19] : memref<1000000x64xf32, #tpu.memory_space<hbm>> -> memref<1000000x64xf32, #tpu.memory_space<hbm>>
    tpu.enqueue_indirect_dma source(%dma_start3A_20 : memref<1000000x64xf32, #tpu.memory_space<hbm>>) target(%arg13 : memref<128x64xf32, #tpu.memory_space<vmem>>) offsets(%arg9 : memref<128xi32, #tpu.memory_space<vmem>>) semaphore(%arg21 : memref<!tpu.dma_semaphore, #tpu.memory_space<semaphore_mem>>)
    %dma_start3A_21 = arith.constant 0 : i32
    %dma_start3A_22 = arith.constant 0 : i32
    %dma_start3A_23 = tpu.memref_slice %arg7[%dma_start3A_21, %dma_start3A_22] : memref<600x64xf32, #tpu.memory_space<vmem_shared>> -> memref<600x64xf32, #tpu.memory_space<vmem_shared>>
    tpu.enqueue_indirect_dma source(%dma_start3A_23 : memref<600x64xf32, #tpu.memory_space<vmem_shared>>) target(%arg15 : memref<128x64xf32, #tpu.memory_space<vmem>>) offsets(%arg11 : memref<128xi32, #tpu.memory_space<vmem>>) semaphore(%arg23 : memref<!tpu.dma_semaphore, #tpu.memory_space<semaphore_mem>>)
    %scan3A = arith.constant 0 : i32
    %scan3A_24 = arith.constant 100 : i32
    %scan3A_25 = arith.addi %scan3A, %scan3A_24 : i32
    %scan3A_26 = arith.constant 1 : i32
    scf.for %scan3A_43 = %scan3A to %scan3A_25 step %scan3A_26  : i32 {
      %mul3A_44 = arith.constant 2 : i32
      %mul3A_45 = arith.muli %scan3A_43, %mul3A_44 : i32
      %add3A_46 = arith.constant 0 : i32
      %add3A_47 = arith.addi %add3A_46, %mul3A_45 : i32
      %dma_wait3A_48 = arith.constant 0 : i32
      %dma_wait3A_49 = arith.constant 0 : i32
      %dma_wait3A_50 = tpu.memref_slice %arg2[%dma_wait3A_48, %dma_wait3A_49] : memref<1000000x64xf32, #tpu.memory_space<hbm>> -> memref<1000000x64xf32, #tpu.memory_space<hbm>>
      tpu.wait_indirect_dma semaphore(%arg20 : memref<!tpu.dma_semaphore, #tpu.memory_space<semaphore_mem>>) src(%dma_wait3A_50 : memref<1000000x64xf32, #tpu.memory_space<hbm>>) dst(%arg12 : memref<128x64xf32, #tpu.memory_space<vmem>>)
      %dma_wait3A_51 = arith.constant 0 : i32
      %dma_wait3A_52 = arith.constant 0 : i32
      %dma_wait3A_53 = tpu.memref_slice %arg7[%dma_wait3A_51, %dma_wait3A_52] : memref<600x64xf32, #tpu.memory_space<vmem_shared>> -> memref<600x64xf32, #tpu.memory_space<vmem_shared>>
      tpu.wait_indirect_dma semaphore(%arg22 : memref<!tpu.dma_semaphore, #tpu.memory_space<semaphore_mem>>) src(%dma_wait3A_53 : memref<600x64xf32, #tpu.memory_space<vmem_shared>>) dst(%arg14 : memref<128x64xf32, #tpu.memory_space<vmem>>)
      %add3A_54 = arith.constant 2 : i32
      %add3A_55 = arith.addi %add3A_47, %add3A_54 : i32
      %lt3A = arith.constant 200 : i32
      %lt3A_56 = arith.cmpi slt, %add3A_55, %lt3A : i32
      %convert_element_type3A_57 = arith.extui %lt3A_56 : i1 to i32
      %cond3A_58 = arith.constant 0 : i32
      %cond3A_59 = arith.cmpi ne, %convert_element_type3A_57, %cond3A_58 : i32
      scf.if %cond3A_59 {
        %add3A_122 = arith.constant 2 : i32
        %add3A_123 = arith.addi %add3A_47, %add3A_122 : i32
        %add3A_124 = arith.addi %mul3A_4, %add3A_123 : i32
        %mul3A_125 = arith.constant 128 : i32
        %mul3A_126 = arith.muli %add3A_124, %mul3A_125 : i32
        %dma_start3A_127 = tpu.memref_slice %arg4[%mul3A_126] : memref<819200xi32, #tpu.memory_space<hbm>> -> memref<128xi32, #tpu.memory_space<hbm>>
        %dma_start3A_128 = tpu.memref_slice %arg4[%mul3A_126] : memref<819200xi32, #tpu.memory_space<hbm>> -> memref<128xi32, #tpu.memory_space<hbm>>
        tpu.enqueue_dma source(%dma_start3A_128 : memref<128xi32, #tpu.memory_space<hbm>>) target(%arg8 : memref<128xi32, #tpu.memory_space<vmem>>) target_semaphore(%arg18 : memref<!tpu.dma_semaphore, #tpu.memory_space<semaphore_mem>>)
        %dma_start3A_129 = tpu.memref_slice %arg5[%mul3A_126] : memref<819200xi32, #tpu.memory_space<hbm>> -> memref<128xi32, #tpu.memory_space<hbm>>
        %dma_start3A_130 = tpu.memref_slice %arg5[%mul3A_126] : memref<819200xi32, #tpu.memory_space<hbm>> -> memref<128xi32, #tpu.memory_space<hbm>>
        tpu.enqueue_dma source(%dma_start3A_130 : memref<128xi32, #tpu.memory_space<hbm>>) target(%arg10 : memref<128xi32, #tpu.memory_space<vmem>>) target_semaphore(%arg18 : memref<!tpu.dma_semaphore, #tpu.memory_space<semaphore_mem>>)
      } else {
      }
      %ge3A = arith.constant 2 : i32
      %ge3A_60 = arith.cmpi sge, %add3A_47, %ge3A : i32
      %convert_element_type3A_61 = arith.extui %ge3A_60 : i1 to i32
      %cond3A_62 = arith.constant 0 : i32
      %cond3A_63 = arith.cmpi ne, %convert_element_type3A_61, %cond3A_62 : i32
      scf.if %cond3A_63 {
        %sub3A = arith.constant 2 : i32
        %sub3A_122 = arith.subi %add3A_47, %sub3A : i32
        %add3A_123 = arith.addi %mul3A_4, %sub3A_122 : i32
        %mul3A_124 = arith.constant 128 : i32
        %mul3A_125 = arith.muli %add3A_123, %mul3A_124 : i32
        %dma_wait3A_126 = arith.constant 0 : i32
        %dma_wait3A_127 = tpu.memref_slice %arg6[%mul3A_125, %dma_wait3A_126] : memref<819200x64xf32, #tpu.memory_space<hbm>> -> memref<128x64xf32, #tpu.memory_space<hbm>>
        %dma_wait3A_128 = arith.constant 0 : i32
        %dma_wait3A_129 = tpu.memref_slice %arg6[%mul3A_125, %dma_wait3A_128] : memref<819200x64xf32, #tpu.memory_space<hbm>> -> memref<128x64xf32, #tpu.memory_space<hbm>>
        tpu.wait_dma2 semaphore(%arg24 : memref<!tpu.dma_semaphore, #tpu.memory_space<semaphore_mem>>) src(%arg16 : memref<128x64xf32, #tpu.memory_space<vmem>>) dst(%dma_wait3A_129 : memref<128x64xf32, #tpu.memory_space<hbm>>)
      } else {
      }
      %scan3A_64 = arith.constant 0 : i32
      %scan3A_65 = arith.constant 32 : i32
      %scan3A_66 = arith.addi %scan3A_64, %scan3A_65 : i32
      %scan3A_67 = arith.constant 1 : i32
      scf.for %scan3A_122 = %scan3A_64 to %scan3A_66 step %scan3A_67  : i32 {
        %mul3A_123 = arith.constant 4 : i32
        %mul3A_124 = arith.muli %scan3A_122, %mul3A_123 : i32
        %add3A_125 = arith.constant 0 : i32
        %add3A_126 = arith.addi %add3A_125, %mul3A_124 : i32
        %add3A_127 = arith.constant 0 : i32
        %add3A_128 = arith.addi %add3A_126, %add3A_127 : i32
        %get3A = arith.index_cast %add3A_128 : i32 to index
        %get3A_129 = arith.constant 0 : index
        %get3A_130 = tpu.vector_load %arg12[%get3A, %get3A_129] {strides = array<i32>} : memref<128x64xf32, #tpu.memory_space<vmem>>, vector<1x16xf32>,
        %get3A_131 = vector.shape_cast %get3A_130 : vector<1x16xf32> to vector<1x16xf32>
        %get3A_132 = arith.index_cast %add3A_128 : i32 to index
        %get3A_133 = arith.constant 0 : index
        %get3A_134 = tpu.vector_load %arg14[%get3A_132, %get3A_133] {strides = array<i32>} : memref<128x64xf32, #tpu.memory_space<vmem>>, vector<1x16xf32>,
        %get3A_135 = vector.shape_cast %get3A_134 : vector<1x16xf32> to vector<1x16xf32>
        %add3A_136 = arith.addf %get3A_131, %get3A_135 : vector<1x16xf32>
        %swap3A = arith.index_cast %add3A_128 : i32 to index
        %swap3A_137 = arith.constant 0 : index
        %swap3A_138 = tpu.vector_load %arg16[%swap3A, %swap3A_137] {strides = array<i32>} : memref<128x64xf32, #tpu.memory_space<vmem>>, vector<1x16xf32>,
        %swap3A_139 = vector.shape_cast %swap3A_138 : vector<1x16xf32> to vector<1x16xf32>
        %swap3A_140 = vector.shape_cast %add3A_136 : vector<1x16xf32> to vector<1x16xf32>
        tpu.vector_store %arg16[%swap3A, %swap3A_137], %swap3A_140 {strides = array<i32>} : memref<128x64xf32, #tpu.memory_space<vmem>>, vector<1x16xf32>,
        %add3A_141 = arith.constant 0 : i32
        %add3A_142 = arith.addi %add3A_126, %add3A_141 : i32
        %get3A_143 = arith.index_cast %add3A_142 : i32 to index
        %get3A_144 = arith.constant 16 : index
        %get3A_145 = tpu.vector_load %arg12[%get3A_143, %get3A_144] {strides = array<i32>} : memref<128x64xf32, #tpu.memory_space<vmem>>, vector<1x16xf32>,
        %get3A_146 = vector.shape_cast %get3A_145 : vector<1x16xf32> to vector<1x16xf32>
        %get3A_147 = arith.index_cast %add3A_142 : i32 to index
        %get3A_148 = arith.constant 16 : index
        %get3A_149 = tpu.vector_load %arg14[%get3A_147, %get3A_148] {strides = array<i32>} : memref<128x64xf32, #tpu.memory_space<vmem>>, vector<1x16xf32>,
        %get3A_150 = vector.shape_cast %get3A_149 : vector<1x16xf32> to vector<1x16xf32>
        %add3A_151 = arith.addf %get3A_146, %get3A_150 : vector<1x16xf32>
        %swap3A_152 = arith.index_cast %add3A_142 : i32 to index
        %swap3A_153 = arith.constant 16 : index
        %swap3A_154 = tpu.vector_load %arg16[%swap3A_152, %swap3A_153] {strides = array<i32>} : memref<128x64xf32, #tpu.memory_space<vmem>>, vector<1x16xf32>,
        %swap3A_155 = vector.shape_cast %swap3A_154 : vector<1x16xf32> to vector<1x16xf32>
        %swap3A_156 = vector.shape_cast %add3A_151 : vector<1x16xf32> to vector<1x16xf32>
        tpu.vector_store %arg16[%swap3A_152, %swap3A_153], %swap3A_156 {strides = array<i32>} : memref<128x64xf32, #tpu.memory_space<vmem>>, vector<1x16xf32>,
        %add3A_157 = arith.constant 0 : i32
        %add3A_158 = arith.addi %add3A_126, %add3A_157 : i32
        %get3A_159 = arith.index_cast %add3A_158 : i32 to index
        %get3A_160 = arith.constant 32 : index
        %get3A_161 = tpu.vector_load %arg12[%get3A_159, %get3A_160] {strides = array<i32>} : memref<128x64xf32, #tpu.memory_space<vmem>>, vector<1x16xf32>,
        %get3A_162 = vector.shape_cast %get3A_161 : vector<1x16xf32> to vector<1x16xf32>
        %get3A_163 = arith.index_cast %add3A_158 : i32 to index
        %get3A_164 = arith.constant 32 : index
        %get3A_165 = tpu.vector_load %arg14[%get3A_163, %get3A_164] {strides = array<i32>} : memref<128x64xf32, #tpu.memory_space<vmem>>, vector<1x16xf32>,
        %get3A_166 = vector.shape_cast %get3A_165 : vector<1x16xf32> to vector<1x16xf32>
        %add3A_167 = arith.addf %get3A_162, %get3A_166 : vector<1x16xf32>
        %swap3A_168 = arith.index_cast %add3A_158 : i32 to index
        %swap3A_169 = arith.constant 32 : index
        %swap3A_170 = tpu.vector_load %arg16[%swap3A_168, %swap3A_169] {strides = array<i32>} : memref<128x64xf32, #tpu.memory_space<vmem>>, vector<1x16xf32>,
        %swap3A_171 = vector.shape_cast %swap3A_170 : vector<1x16xf32> to vector<1x16xf32>
        %swap3A_172 = vector.shape_cast %add3A_167 : vector<1x16xf32> to vector<1x16xf32>
        tpu.vector_store %arg16[%swap3A_168, %swap3A_169], %swap3A_172 {strides = array<i32>} : memref<128x64xf32, #tpu.memory_space<vmem>>, vector<1x16xf32>,
        %add3A_173 = arith.constant 0 : i32
        %add3A_174 = arith.addi %add3A_126, %add3A_173 : i32
        %get3A_175 = arith.index_cast %add3A_174 : i32 to index
        %get3A_176 = arith.constant 48 : index
        %get3A_177 = tpu.vector_load %arg12[%get3A_175, %get3A_176] {strides = array<i32>} : memref<128x64xf32, #tpu.memory_space<vmem>>, vector<1x16xf32>,
        %get3A_178 = vector.shape_cast %get3A_177 : vector<1x16xf32> to vector<1x16xf32>
        %get3A_179 = arith.index_cast %add3A_174 : i32 to index
        %get3A_180 = arith.constant 48 : index
        %get3A_181 = tpu.vector_load %arg14[%get3A_179, %get3A_180] {strides = array<i32>} : memref<128x64xf32, #tpu.memory_space<vmem>>, vector<1x16xf32>,
        %get3A_182 = vector.shape_cast %get3A_181 : vector<1x16xf32> to vector<1x16xf32>
        %add3A_183 = arith.addf %get3A_178, %get3A_182 : vector<1x16xf32>
        %swap3A_184 = arith.index_cast %add3A_174 : i32 to index
        %swap3A_185 = arith.constant 48 : index
        %swap3A_186 = tpu.vector_load %arg16[%swap3A_184, %swap3A_185] {strides = array<i32>} : memref<128x64xf32, #tpu.memory_space<vmem>>, vector<1x16xf32>,
        %swap3A_187 = vector.shape_cast %swap3A_186 : vector<1x16xf32> to vector<1x16xf32>
        %swap3A_188 = vector.shape_cast %add3A_183 : vector<1x16xf32> to vector<1x16xf32>
        tpu.vector_store %arg16[%swap3A_184, %swap3A_185], %swap3A_188 {strides = array<i32>} : memref<128x64xf32, #tpu.memory_space<vmem>>, vector<1x16xf32>,
        %add3A_189 = arith.constant 1 : i32
        %add3A_190 = arith.addi %add3A_126, %add3A_189 : i32
        %get3A_191 = arith.index_cast %add3A_190 : i32 to index
        %get3A_192 = arith.constant 0 : index
        %get3A_193 = tpu.vector_load %arg12[%get3A_191, %get3A_192] {strides = array<i32>} : memref<128x64xf32, #tpu.memory_space<vmem>>, vector<1x16xf32>,
        %get3A_194 = vector.shape_cast %get3A_193 : vector<1x16xf32> to vector<1x16xf32>
        %get3A_195 = arith.index_cast %add3A_190 : i32 to index
        %get3A_196 = arith.constant 0 : index
        %get3A_197 = tpu.vector_load %arg14[%get3A_195, %get3A_196] {strides = array<i32>} : memref<128x64xf32, #tpu.memory_space<vmem>>, vector<1x16xf32>,
        %get3A_198 = vector.shape_cast %get3A_197 : vector<1x16xf32> to vector<1x16xf32>
        %add3A_199 = arith.addf %get3A_194, %get3A_198 : vector<1x16xf32>
        %swap3A_200 = arith.index_cast %add3A_190 : i32 to index
        %swap3A_201 = arith.constant 0 : index
        %swap3A_202 = tpu.vector_load %arg16[%swap3A_200, %swap3A_201] {strides = array<i32>} : memref<128x64xf32, #tpu.memory_space<vmem>>, vector<1x16xf32>,
        %swap3A_203 = vector.shape_cast %swap3A_202 : vector<1x16xf32> to vector<1x16xf32>
        %swap3A_204 = vector.shape_cast %add3A_199 : vector<1x16xf32> to vector<1x16xf32>
        tpu.vector_store %arg16[%swap3A_200, %swap3A_201], %swap3A_204 {strides = array<i32>} : memref<128x64xf32, #tpu.memory_space<vmem>>, vector<1x16xf32>,
        %add3A_205 = arith.constant 1 : i32
        %add3A_206 = arith.addi %add3A_126, %add3A_205 : i32
        %get3A_207 = arith.index_cast %add3A_206 : i32 to index
        %get3A_208 = arith.constant 16 : index
        %get3A_209 = tpu.vector_load %arg12[%get3A_207, %get3A_208] {strides = array<i32>} : memref<128x64xf32, #tpu.memory_space<vmem>>, vector<1x16xf32>,
        %get3A_210 = vector.shape_cast %get3A_209 : vector<1x16xf32> to vector<1x16xf32>
        %get3A_211 = arith.index_cast %add3A_206 : i32 to index
        %get3A_212 = arith.constant 16 : index
        %get3A_213 = tpu.vector_load %arg14[%get3A_211, %get3A_212] {strides = array<i32>} : memref<128x64xf32, #tpu.memory_space<vmem>>, vector<1x16xf32>,
        %get3A_214 = vector.shape_cast %get3A_213 : vector<1x16xf32> to vector<1x16xf32>
        %add3A_215 = arith.addf %get3A_210, %get3A_214 : vector<1x16xf32>
        %swap3A_216 = arith.index_cast %add3A_206 : i32 to index
        %swap3A_217 = arith.constant 16 : index
        %swap3A_218 = tpu.vector_load %arg16[%swap3A_216, %swap3A_217] {strides = array<i32>} : memref<128x64xf32, #tpu.memory_space<vmem>>, vector<1x16xf32>,
        %swap3A_219 = vector.shape_cast %swap3A_218 : vector<1x16xf32> to vector<1x16xf32>
        %swap3A_220 = vector.shape_cast %add3A_215 : vector<1x16xf32> to vector<1x16xf32>
        tpu.vector_store %arg16[%swap3A_216, %swap3A_217], %swap3A_220 {strides = array<i32>} : memref<128x64xf32, #tpu.memory_space<vmem>>, vector<1x16xf32>,
        %add3A_221 = arith.constant 1 : i32
        %add3A_222 = arith.addi %add3A_126, %add3A_221 : i32
        %get3A_223 = arith.index_cast %add3A_222 : i32 to index
        %get3A_224 = arith.constant 32 : index
        %get3A_225 = tpu.vector_load %arg12[%get3A_223, %get3A_224] {strides = array<i32>} : memref<128x64xf32, #tpu.memory_space<vmem>>, vector<1x16xf32>,
        %get3A_226 = vector.shape_cast %get3A_225 : vector<1x16xf32> to vector<1x16xf32>
        %get3A_227 = arith.index_cast %add3A_222 : i32 to index
        %get3A_228 = arith.constant 32 : index
        %get3A_229 = tpu.vector_load %arg14[%get3A_227, %get3A_228] {strides = array<i32>} : memref<128x64xf32, #tpu.memory_space<vmem>>, vector<1x16xf32>,
        %get3A_230 = vector.shape_cast %get3A_229 : vector<1x16xf32> to vector<1x16xf32>
        %add3A_231 = arith.addf %get3A_226, %get3A_230 : vector<1x16xf32>
        %swap3A_232 = arith.index_cast %add3A_222 : i32 to index
        %swap3A_233 = arith.constant 32 : index
        %swap3A_234 = tpu.vector_load %arg16[%swap3A_232, %swap3A_233] {strides = array<i32>} : memref<128x64xf32, #tpu.memory_space<vmem>>, vector<1x16xf32>,
        %swap3A_235 = vector.shape_cast %swap3A_234 : vector<1x16xf32> to vector<1x16xf32>
        %swap3A_236 = vector.shape_cast %add3A_231 : vector<1x16xf32> to vector<1x16xf32>
        tpu.vector_store %arg16[%swap3A_232, %swap3A_233], %swap3A_236 {strides = array<i32>} : memref<128x64xf32, #tpu.memory_space<vmem>>, vector<1x16xf32>,
        %add3A_237 = arith.constant 1 : i32
        %add3A_238 = arith.addi %add3A_126, %add3A_237 : i32
        %get3A_239 = arith.index_cast %add3A_238 : i32 to index
        %get3A_240 = arith.constant 48 : index
        %get3A_241 = tpu.vector_load %arg12[%get3A_239, %get3A_240] {strides = array<i32>} : memref<128x64xf32, #tpu.memory_space<vmem>>, vector<1x16xf32>,
        %get3A_242 = vector.shape_cast %get3A_241 : vector<1x16xf32> to vector<1x16xf32>
        %get3A_243 = arith.index_cast %add3A_238 : i32 to index
        %get3A_244 = arith.constant 48 : index
        %get3A_245 = tpu.vector_load %arg14[%get3A_243, %get3A_244] {strides = array<i32>} : memref<128x64xf32, #tpu.memory_space<vmem>>, vector<1x16xf32>,
        %get3A_246 = vector.shape_cast %get3A_245 : vector<1x16xf32> to vector<1x16xf32>
        %add3A_247 = arith.addf %get3A_242, %get3A_246 : vector<1x16xf32>
        %swap3A_248 = arith.index_cast %add3A_238 : i32 to index
        %swap3A_249 = arith.constant 48 : index
        %swap3A_250 = tpu.vector_load %arg16[%swap3A_248, %swap3A_249] {strides = array<i32>} : memref<128x64xf32, #tpu.memory_space<vmem>>, vector<1x16xf32>,
        %swap3A_251 = vector.shape_cast %swap3A_250 : vector<1x16xf32> to vector<1x16xf32>
        %swap3A_252 = vector.shape_cast %add3A_247 : vector<1x16xf32> to vector<1x16xf32>
        tpu.vector_store %arg16[%swap3A_248, %swap3A_249], %swap3A_252 {strides = array<i32>} : memref<128x64xf32, #tpu.memory_space<vmem>>, vector<1x16xf32>,
        %add3A_253 = arith.constant 2 : i32
        %add3A_254 = arith.addi %add3A_126, %add3A_253 : i32
        %get3A_255 = arith.index_cast %add3A_254 : i32 to index
        %get3A_256 = arith.constant 0 : index
        %get3A_257 = tpu.vector_load %arg12[%get3A_255, %get3A_256] {strides = array<i32>} : memref<128x64xf32, #tpu.memory_space<vmem>>, vector<1x16xf32>,
        %get3A_258 = vector.shape_cast %get3A_257 : vector<1x16xf32> to vector<1x16xf32>
        %get3A_259 = arith.index_cast %add3A_254 : i32 to index
        %get3A_260 = arith.constant 0 : index
        %get3A_261 = tpu.vector_load %arg14[%get3A_259, %get3A_260] {strides = array<i32>} : memref<128x64xf32, #tpu.memory_space<vmem>>, vector<1x16xf32>,
        %get3A_262 = vector.shape_cast %get3A_261 : vector<1x16xf32> to vector<1x16xf32>
        %add3A_263 = arith.addf %get3A_258, %get3A_262 : vector<1x16xf32>
        %swap3A_264 = arith.index_cast %add3A_254 : i32 to index
        %swap3A_265 = arith.constant 0 : index
        %swap3A_266 = tpu.vector_load %arg16[%swap3A_264, %swap3A_265] {strides = array<i32>} : memref<128x64xf32, #tpu.memory_space<vmem>>, vector<1x16xf32>,
        %swap3A_267 = vector.shape_cast %swap3A_266 : vector<1x16xf32> to vector<1x16xf32>
        %swap3A_268 = vector.shape_cast %add3A_263 : vector<1x16xf32> to vector<1x16xf32>
        tpu.vector_store %arg16[%swap3A_264, %swap3A_265], %swap3A_268 {strides = array<i32>} : memref<128x64xf32, #tpu.memory_space<vmem>>, vector<1x16xf32>,
        %add3A_269 = arith.constant 2 : i32
        %add3A_270 = arith.addi %add3A_126, %add3A_269 : i32
        %get3A_271 = arith.index_cast %add3A_270 : i32 to index
        %get3A_272 = arith.constant 16 : index
        %get3A_273 = tpu.vector_load %arg12[%get3A_271, %get3A_272] {strides = array<i32>} : memref<128x64xf32, #tpu.memory_space<vmem>>, vector<1x16xf32>,
        %get3A_274 = vector.shape_cast %get3A_273 : vector<1x16xf32> to vector<1x16xf32>
        %get3A_275 = arith.index_cast %add3A_270 : i32 to index
        %get3A_276 = arith.constant 16 : index
        %get3A_277 = tpu.vector_load %arg14[%get3A_275, %get3A_276] {strides = array<i32>} : memref<128x64xf32, #tpu.memory_space<vmem>>, vector<1x16xf32>,
        %get3A_278 = vector.shape_cast %get3A_277 : vector<1x16xf32> to vector<1x16xf32>
        %add3A_279 = arith.addf %get3A_274, %get3A_278 : vector<1x16xf32>
        %swap3A_280 = arith.index_cast %add3A_270 : i32 to index
        %swap3A_281 = arith.constant 16 : index
        %swap3A_282 = tpu.vector_load %arg16[%swap3A_280, %swap3A_281] {strides = array<i32>} : memref<128x64xf32, #tpu.memory_space<vmem>>, vector<1x16xf32>,
        %swap3A_283 = vector.shape_cast %swap3A_282 : vector<1x16xf32> to vector<1x16xf32>
        %swap3A_284 = vector.shape_cast %add3A_279 : vector<1x16xf32> to vector<1x16xf32>
        tpu.vector_store %arg16[%swap3A_280, %swap3A_281], %swap3A_284 {strides = array<i32>} : memref<128x64xf32, #tpu.memory_space<vmem>>, vector<1x16xf32>,
        %add3A_285 = arith.constant 2 : i32
        %add3A_286 = arith.addi %add3A_126, %add3A_285 : i32
        %get3A_287 = arith.index_cast %add3A_286 : i32 to index
        %get3A_288 = arith.constant 32 : index
        %get3A_289 = tpu.vector_load %arg12[%get3A_287, %get3A_288] {strides = array<i32>} : memref<128x64xf32, #tpu.memory_space<vmem>>, vector<1x16xf32>,
        %get3A_290 = vector.shape_cast %get3A_289 : vector<1x16xf32> to vector<1x16xf32>
        %get3A_291 = arith.index_cast %add3A_286 : i32 to index
        %get3A_292 = arith.constant 32 : index
        %get3A_293 = tpu.vector_load %arg14[%get3A_291, %get3A_292] {strides = array<i32>} : memref<128x64xf32, #tpu.memory_space<vmem>>, vector<1x16xf32>,
        %get3A_294 = vector.shape_cast %get3A_293 : vector<1x16xf32> to vector<1x16xf32>
        %add3A_295 = arith.addf %get3A_290, %get3A_294 : vector<1x16xf32>
        %swap3A_296 = arith.index_cast %add3A_286 : i32 to index
        %swap3A_297 = arith.constant 32 : index
        %swap3A_298 = tpu.vector_load %arg16[%swap3A_296, %swap3A_297] {strides = array<i32>} : memref<128x64xf32, #tpu.memory_space<vmem>>, vector<1x16xf32>,
        %swap3A_299 = vector.shape_cast %swap3A_298 : vector<1x16xf32> to vector<1x16xf32>
        %swap3A_300 = vector.shape_cast %add3A_295 : vector<1x16xf32> to vector<1x16xf32>
        tpu.vector_store %arg16[%swap3A_296, %swap3A_297], %swap3A_300 {strides = array<i32>} : memref<128x64xf32, #tpu.memory_space<vmem>>, vector<1x16xf32>,
        %add3A_301 = arith.constant 2 : i32
        %add3A_302 = arith.addi %add3A_126, %add3A_301 : i32
        %get3A_303 = arith.index_cast %add3A_302 : i32 to index
        %get3A_304 = arith.constant 48 : index
        %get3A_305 = tpu.vector_load %arg12[%get3A_303, %get3A_304] {strides = array<i32>} : memref<128x64xf32, #tpu.memory_space<vmem>>, vector<1x16xf32>,
        %get3A_306 = vector.shape_cast %get3A_305 : vector<1x16xf32> to vector<1x16xf32>
        %get3A_307 = arith.index_cast %add3A_302 : i32 to index
        %get3A_308 = arith.constant 48 : index
        %get3A_309 = tpu.vector_load %arg14[%get3A_307, %get3A_308] {strides = array<i32>} : memref<128x64xf32, #tpu.memory_space<vmem>>, vector<1x16xf32>,
        %get3A_310 = vector.shape_cast %get3A_309 : vector<1x16xf32> to vector<1x16xf32>
        %add3A_311 = arith.addf %get3A_306, %get3A_310 : vector<1x16xf32>
        %swap3A_312 = arith.index_cast %add3A_302 : i32 to index
        %swap3A_313 = arith.constant 48 : index
        %swap3A_314 = tpu.vector_load %arg16[%swap3A_312, %swap3A_313] {strides = array<i32>} : memref<128x64xf32, #tpu.memory_space<vmem>>, vector<1x16xf32>,
        %swap3A_315 = vector.shape_cast %swap3A_314 : vector<1x16xf32> to vector<1x16xf32>
        %swap3A_316 = vector.shape_cast %add3A_311 : vector<1x16xf32> to vector<1x16xf32>
        tpu.vector_store %arg16[%swap3A_312, %swap3A_313], %swap3A_316 {strides = array<i32>} : memref<128x64xf32, #tpu.memory_space<vmem>>, vector<1x16xf32>,
        %add3A_317 = arith.constant 3 : i32
        %add3A_318 = arith.addi %add3A_126, %add3A_317 : i32
        %get3A_319 = arith.index_cast %add3A_318 : i32 to index
        %get3A_320 = arith.constant 0 : index
        %get3A_321 = tpu.vector_load %arg12[%get3A_319, %get3A_320] {strides = array<i32>} : memref<128x64xf32, #tpu.memory_space<vmem>>, vector<1x16xf32>,
        %get3A_322 = vector.shape_cast %get3A_321 : vector<1x16xf32> to vector<1x16xf32>
        %get3A_323 = arith.index_cast %add3A_318 : i32 to index
        %get3A_324 = arith.constant 0 : index
        %get3A_325 = tpu.vector_load %arg14[%get3A_323, %get3A_324] {strides = array<i32>} : memref<128x64xf32, #tpu.memory_space<vmem>>, vector<1x16xf32>,
        %get3A_326 = vector.shape_cast %get3A_325 : vector<1x16xf32> to vector<1x16xf32>
        %add3A_327 = arith.addf %get3A_322, %get3A_326 : vector<1x16xf32>
        %swap3A_328 = arith.index_cast %add3A_318 : i32 to index
        %swap3A_329 = arith.constant 0 : index
        %swap3A_330 = tpu.vector_load %arg16[%swap3A_328, %swap3A_329] {strides = array<i32>} : memref<128x64xf32, #tpu.memory_space<vmem>>, vector<1x16xf32>,
        %swap3A_331 = vector.shape_cast %swap3A_330 : vector<1x16xf32> to vector<1x16xf32>
        %swap3A_332 = vector.shape_cast %add3A_327 : vector<1x16xf32> to vector<1x16xf32>
        tpu.vector_store %arg16[%swap3A_328, %swap3A_329], %swap3A_332 {strides = array<i32>} : memref<128x64xf32, #tpu.memory_space<vmem>>, vector<1x16xf32>,
        %add3A_333 = arith.constant 3 : i32
        %add3A_334 = arith.addi %add3A_126, %add3A_333 : i32
        %get3A_335 = arith.index_cast %add3A_334 : i32 to index
        %get3A_336 = arith.constant 16 : index
        %get3A_337 = tpu.vector_load %arg12[%get3A_335, %get3A_336] {strides = array<i32>} : memref<128x64xf32, #tpu.memory_space<vmem>>, vector<1x16xf32>,
        %get3A_338 = vector.shape_cast %get3A_337 : vector<1x16xf32> to vector<1x16xf32>
        %get3A_339 = arith.index_cast %add3A_334 : i32 to index
        %get3A_340 = arith.constant 16 : index
        %get3A_341 = tpu.vector_load %arg14[%get3A_339, %get3A_340] {strides = array<i32>} : memref<128x64xf32, #tpu.memory_space<vmem>>, vector<1x16xf32>,
        %get3A_342 = vector.shape_cast %get3A_341 : vector<1x16xf32> to vector<1x16xf32>
        %add3A_343 = arith.addf %get3A_338, %get3A_342 : vector<1x16xf32>
        %swap3A_344 = arith.index_cast %add3A_334 : i32 to index
        %swap3A_345 = arith.constant 16 : index
        %swap3A_346 = tpu.vector_load %arg16[%swap3A_344, %swap3A_345] {strides = array<i32>} : memref<128x64xf32, #tpu.memory_space<vmem>>, vector<1x16xf32>,
        %swap3A_347 = vector.shape_cast %swap3A_346 : vector<1x16xf32> to vector<1x16xf32>
        %swap3A_348 = vector.shape_cast %add3A_343 : vector<1x16xf32> to vector<1x16xf32>
        tpu.vector_store %arg16[%swap3A_344, %swap3A_345], %swap3A_348 {strides = array<i32>} : memref<128x64xf32, #tpu.memory_space<vmem>>, vector<1x16xf32>,
        %add3A_349 = arith.constant 3 : i32
        %add3A_350 = arith.addi %add3A_126, %add3A_349 : i32
        %get3A_351 = arith.index_cast %add3A_350 : i32 to index
        %get3A_352 = arith.constant 32 : index
        %get3A_353 = tpu.vector_load %arg12[%get3A_351, %get3A_352] {strides = array<i32>} : memref<128x64xf32, #tpu.memory_space<vmem>>, vector<1x16xf32>,
        %get3A_354 = vector.shape_cast %get3A_353 : vector<1x16xf32> to vector<1x16xf32>
        %get3A_355 = arith.index_cast %add3A_350 : i32 to index
        %get3A_356 = arith.constant 32 : index
        %get3A_357 = tpu.vector_load %arg14[%get3A_355, %get3A_356] {strides = array<i32>} : memref<128x64xf32, #tpu.memory_space<vmem>>, vector<1x16xf32>,
        %get3A_358 = vector.shape_cast %get3A_357 : vector<1x16xf32> to vector<1x16xf32>
        %add3A_359 = arith.addf %get3A_354, %get3A_358 : vector<1x16xf32>
        %swap3A_360 = arith.index_cast %add3A_350 : i32 to index
        %swap3A_361 = arith.constant 32 : index
        %swap3A_362 = tpu.vector_load %arg16[%swap3A_360, %swap3A_361] {strides = array<i32>} : memref<128x64xf32, #tpu.memory_space<vmem>>, vector<1x16xf32>,
        %swap3A_363 = vector.shape_cast %swap3A_362 : vector<1x16xf32> to vector<1x16xf32>
        %swap3A_364 = vector.shape_cast %add3A_359 : vector<1x16xf32> to vector<1x16xf32>
        tpu.vector_store %arg16[%swap3A_360, %swap3A_361], %swap3A_364 {strides = array<i32>} : memref<128x64xf32, #tpu.memory_space<vmem>>, vector<1x16xf32>,
        %add3A_365 = arith.constant 3 : i32
        %add3A_366 = arith.addi %add3A_126, %add3A_365 : i32
        %get3A_367 = arith.index_cast %add3A_366 : i32 to index
        %get3A_368 = arith.constant 48 : index
        %get3A_369 = tpu.vector_load %arg12[%get3A_367, %get3A_368] {strides = array<i32>} : memref<128x64xf32, #tpu.memory_space<vmem>>, vector<1x16xf32>,
        %get3A_370 = vector.shape_cast %get3A_369 : vector<1x16xf32> to vector<1x16xf32>
        %get3A_371 = arith.index_cast %add3A_366 : i32 to index
        %get3A_372 = arith.constant 48 : index
        %get3A_373 = tpu.vector_load %arg14[%get3A_371, %get3A_372] {strides = array<i32>} : memref<128x64xf32, #tpu.memory_space<vmem>>, vector<1x16xf32>,
        %get3A_374 = vector.shape_cast %get3A_373 : vector<1x16xf32> to vector<1x16xf32>
        %add3A_375 = arith.addf %get3A_370, %get3A_374 : vector<1x16xf32>
        %swap3A_376 = arith.index_cast %add3A_366 : i32 to index
        %swap3A_377 = arith.constant 48 : index
        %swap3A_378 = tpu.vector_load %arg16[%swap3A_376, %swap3A_377] {strides = array<i32>} : memref<128x64xf32, #tpu.memory_space<vmem>>, vector<1x16xf32>,
        %swap3A_379 = vector.shape_cast %swap3A_378 : vector<1x16xf32> to vector<1x16xf32>
        %swap3A_380 = vector.shape_cast %add3A_375 : vector<1x16xf32> to vector<1x16xf32>
        tpu.vector_store %arg16[%swap3A_376, %swap3A_377], %swap3A_380 {strides = array<i32>} : memref<128x64xf32, #tpu.memory_space<vmem>>, vector<1x16xf32>,
      }
      %scan3A_68 = arith.constant 32 : i32
      %add3A_69 = arith.addi %mul3A_4, %add3A_47 : i32
      %mul3A_70 = arith.constant 128 : i32
      %mul3A_71 = arith.muli %add3A_69, %mul3A_70 : i32
      %dma_start3A_72 = arith.constant 0 : i32
      %dma_start3A_73 = tpu.memref_slice %arg6[%mul3A_71, %dma_start3A_72] : memref<819200x64xf32, #tpu.memory_space<hbm>> -> memref<128x64xf32, #tpu.memory_space<hbm>>
      %dma_start3A_74 = arith.constant 0 : i32
      %dma_start3A_75 = tpu.memref_slice %arg6[%mul3A_71, %dma_start3A_74] : memref<819200x64xf32, #tpu.memory_space<hbm>> -> memref<128x64xf32, #tpu.memory_space<hbm>>
      tpu.enqueue_dma source(%arg16 : memref<128x64xf32, #tpu.memory_space<vmem>>) target(%dma_start3A_75 : memref<128x64xf32, #tpu.memory_space<hbm>>) target_semaphore(%arg24 : memref<!tpu.dma_semaphore, #tpu.memory_space<semaphore_mem>>)
      %add3A_76 = arith.constant 2 : i32
      %add3A_77 = arith.addi %add3A_47, %add3A_76 : i32
      %lt3A_78 = arith.constant 200 : i32
      %lt3A_79 = arith.cmpi slt, %add3A_77, %lt3A_78 : i32
      %convert_element_type3A_80 = arith.extui %lt3A_79 : i1 to i32
      %cond3A_81 = arith.constant 0 : i32
      %cond3A_82 = arith.cmpi ne, %convert_element_type3A_80, %cond3A_81 : i32
      scf.if %cond3A_82 {
        %dma_wait3A_122 = arith.constant 0 : i32
        %dma_wait3A_123 = tpu.memref_slice %arg4[%dma_wait3A_122] : memref<819200xi32, #tpu.memory_space<hbm>> -> memref<128xi32, #tpu.memory_space<hbm>>
        %dma_wait3A_124 = arith.constant 0 : i32
        %dma_wait3A_125 = tpu.memref_slice %arg4[%dma_wait3A_124] : memref<819200xi32, #tpu.memory_space<hbm>> -> memref<128xi32, #tpu.memory_space<hbm>>
        tpu.wait_dma2 semaphore(%arg18 : memref<!tpu.dma_semaphore, #tpu.memory_space<semaphore_mem>>) src(%dma_wait3A_125 : memref<128xi32, #tpu.memory_space<hbm>>) dst(%arg8 : memref<128xi32, #tpu.memory_space<vmem>>)
        %dma_wait3A_126 = arith.constant 0 : i32
        %dma_wait3A_127 = tpu.memref_slice %arg5[%dma_wait3A_126] : memref<819200xi32, #tpu.memory_space<hbm>> -> memref<128xi32, #tpu.memory_space<hbm>>
        %dma_wait3A_128 = arith.constant 0 : i32
        %dma_wait3A_129 = tpu.memref_slice %arg5[%dma_wait3A_128] : memref<819200xi32, #tpu.memory_space<hbm>> -> memref<128xi32, #tpu.memory_space<hbm>>
        tpu.wait_dma2 semaphore(%arg18 : memref<!tpu.dma_semaphore, #tpu.memory_space<semaphore_mem>>) src(%dma_wait3A_129 : memref<128xi32, #tpu.memory_space<hbm>>) dst(%arg10 : memref<128xi32, #tpu.memory_space<vmem>>)
        %dma_start3A_130 = arith.constant 0 : i32
        %dma_start3A_131 = arith.constant 0 : i32
        %dma_start3A_132 = tpu.memref_slice %arg2[%dma_start3A_130, %dma_start3A_131] : memref<1000000x64xf32, #tpu.memory_space<hbm>> -> memref<1000000x64xf32, #tpu.memory_space<hbm>>
        tpu.enqueue_indirect_dma source(%dma_start3A_132 : memref<1000000x64xf32, #tpu.memory_space<hbm>>) target(%arg12 : memref<128x64xf32, #tpu.memory_space<vmem>>) offsets(%arg8 : memref<128xi32, #tpu.memory_space<vmem>>) semaphore(%arg20 : memref<!tpu.dma_semaphore, #tpu.memory_space<semaphore_mem>>)
        %dma_start3A_133 = arith.constant 0 : i32
        %dma_start3A_134 = arith.constant 0 : i32
        %dma_start3A_135 = tpu.memref_slice %arg7[%dma_start3A_133, %dma_start3A_134] : memref<600x64xf32, #tpu.memory_space<vmem_shared>> -> memref<600x64xf32, #tpu.memory_space<vmem_shared>>
        tpu.enqueue_indirect_dma source(%dma_start3A_135 : memref<600x64xf32, #tpu.memory_space<vmem_shared>>) target(%arg14 : memref<128x64xf32, #tpu.memory_space<vmem>>) offsets(%arg10 : memref<128xi32, #tpu.memory_space<vmem>>) semaphore(%arg22 : memref<!tpu.dma_semaphore, #tpu.memory_space<semaphore_mem>>)
      } else {
      }
      %add3A_83 = arith.constant 1 : i32
      %add3A_84 = arith.addi %add3A_47, %add3A_83 : i32
      %dma_wait3A_85 = arith.constant 0 : i32
      %dma_wait3A_86 = arith.constant 0 : i32
      %dma_wait3A_87 = tpu.memref_slice %arg2[%dma_wait3A_85, %dma_wait3A_86] : memref<1000000x64xf32, #tpu.memory_space<hbm>> -> memref<1000000x64xf32, #tpu.memory_space<hbm>>
      tpu.wait_indirect_dma semaphore(%arg21 : memref<!tpu.dma_semaphore, #tpu.memory_space<semaphore_mem>>) src(%dma_wait3A_87 : memref<1000000x64xf32, #tpu.memory_space<hbm>>) dst(%arg13 : memref<128x64xf32, #tpu.memory_space<vmem>>)
      %dma_wait3A_88 = arith.constant 0 : i32
      %dma_wait3A_89 = arith.constant 0 : i32
      %dma_wait3A_90 = tpu.memref_slice %arg7[%dma_wait3A_88, %dma_wait3A_89] : memref<600x64xf32, #tpu.memory_space<vmem_shared>> -> memref<600x64xf32, #tpu.memory_space<vmem_shared>>
      tpu.wait_indirect_dma semaphore(%arg23 : memref<!tpu.dma_semaphore, #tpu.memory_space<semaphore_mem>>) src(%dma_wait3A_90 : memref<600x64xf32, #tpu.memory_space<vmem_shared>>) dst(%arg15 : memref<128x64xf32, #tpu.memory_space<vmem>>)
      %add3A_91 = arith.constant 2 : i32
      %add3A_92 = arith.addi %add3A_84, %add3A_91 : i32
      %lt3A_93 = arith.constant 200 : i32
      %lt3A_94 = arith.cmpi slt, %add3A_92, %lt3A_93 : i32
      %convert_element_type3A_95 = arith.extui %lt3A_94 : i1 to i32
      %cond3A_96 = arith.constant 0 : i32
      %cond3A_97 = arith.cmpi ne, %convert_element_type3A_95, %cond3A_96 : i32
      scf.if %cond3A_97 {
        %add3A_122 = arith.constant 2 : i32
        %add3A_123 = arith.addi %add3A_84, %add3A_122 : i32
        %add3A_124 = arith.addi %mul3A_4, %add3A_123 : i32
        %mul3A_125 = arith.constant 128 : i32
        %mul3A_126 = arith.muli %add3A_124, %mul3A_125 : i32
        %dma_start3A_127 = tpu.memref_slice %arg4[%mul3A_126] : memref<819200xi32, #tpu.memory_space<hbm>> -> memref<128xi32, #tpu.memory_space<hbm>>
        %dma_start3A_128 = tpu.memref_slice %arg4[%mul3A_126] : memref<819200xi32, #tpu.memory_space<hbm>> -> memref<128xi32, #tpu.memory_space<hbm>>
        tpu.enqueue_dma source(%dma_start3A_128 : memref<128xi32, #tpu.memory_space<hbm>>) target(%arg9 : memref<128xi32, #tpu.memory_space<vmem>>) target_semaphore(%arg19 : memref<!tpu.dma_semaphore, #tpu.memory_space<semaphore_mem>>)
        %dma_start3A_129 = tpu.memref_slice %arg5[%mul3A_126] : memref<819200xi32, #tpu.memory_space<hbm>> -> memref<128xi32, #tpu.memory_space<hbm>>
        %dma_start3A_130 = tpu.memref_slice %arg5[%mul3A_126] : memref<819200xi32, #tpu.memory_space<hbm>> -> memref<128xi32, #tpu.memory_space<hbm>>
        tpu.enqueue_dma source(%dma_start3A_130 : memref<128xi32, #tpu.memory_space<hbm>>) target(%arg11 : memref<128xi32, #tpu.memory_space<vmem>>) target_semaphore(%arg19 : memref<!tpu.dma_semaphore, #tpu.memory_space<semaphore_mem>>)
      } else {
      }
      %ge3A_98 = arith.constant 2 : i32
      %ge3A_99 = arith.cmpi sge, %add3A_84, %ge3A_98 : i32
      %convert_element_type3A_100 = arith.extui %ge3A_99 : i1 to i32
      %cond3A_101 = arith.constant 0 : i32
      %cond3A_102 = arith.cmpi ne, %convert_element_type3A_100, %cond3A_101 : i32
      scf.if %cond3A_102 {
        %sub3A = arith.constant 2 : i32
        %sub3A_122 = arith.subi %add3A_84, %sub3A : i32
        %add3A_123 = arith.addi %mul3A_4, %sub3A_122 : i32
        %mul3A_124 = arith.constant 128 : i32
        %mul3A_125 = arith.muli %add3A_123, %mul3A_124 : i32
        %dma_wait3A_126 = arith.constant 0 : i32
        %dma_wait3A_127 = tpu.memref_slice %arg6[%mul3A_125, %dma_wait3A_126] : memref<819200x64xf32, #tpu.memory_space<hbm>> -> memref<128x64xf32, #tpu.memory_space<hbm>>
        %dma_wait3A_128 = arith.constant 0 : i32
        %dma_wait3A_129 = tpu.memref_slice %arg6[%mul3A_125, %dma_wait3A_128] : memref<819200x64xf32, #tpu.memory_space<hbm>> -> memref<128x64xf32, #tpu.memory_space<hbm>>
        tpu.wait_dma2 semaphore(%arg25 : memref<!tpu.dma_semaphore, #tpu.memory_space<semaphore_mem>>) src(%arg17 : memref<128x64xf32, #tpu.memory_space<vmem>>) dst(%dma_wait3A_129 : memref<128x64xf32, #tpu.memory_space<hbm>>)
      } else {
      }
      %scan3A_103 = arith.constant 0 : i32
      %scan3A_104 = arith.constant 32 : i32
      %scan3A_105 = arith.addi %scan3A_103, %scan3A_104 : i32
      %scan3A_106 = arith.constant 1 : i32
      scf.for %scan3A_122 = %scan3A_103 to %scan3A_105 step %scan3A_106  : i32 {
        %mul3A_123 = arith.constant 4 : i32
        %mul3A_124 = arith.muli %scan3A_122, %mul3A_123 : i32
        %add3A_125 = arith.constant 0 : i32
        %add3A_126 = arith.addi %add3A_125, %mul3A_124 : i32
        %add3A_127 = arith.constant 0 : i32
        %add3A_128 = arith.addi %add3A_126, %add3A_127 : i32
        %get3A = arith.index_cast %add3A_128 : i32 to index
        %get3A_129 = arith.constant 0 : index
        %get3A_130 = tpu.vector_load %arg13[%get3A, %get3A_129] {strides = array<i32>} : memref<128x64xf32, #tpu.memory_space<vmem>>, vector<1x16xf32>,
        %get3A_131 = vector.shape_cast %get3A_130 : vector<1x16xf32> to vector<1x16xf32>
        %get3A_132 = arith.index_cast %add3A_128 : i32 to index
        %get3A_133 = arith.constant 0 : index
        %get3A_134 = tpu.vector_load %arg15[%get3A_132, %get3A_133] {strides = array<i32>} : memref<128x64xf32, #tpu.memory_space<vmem>>, vector<1x16xf32>,
        %get3A_135 = vector.shape_cast %get3A_134 : vector<1x16xf32> to vector<1x16xf32>
        %add3A_136 = arith.addf %get3A_131, %get3A_135 : vector<1x16xf32>
        %swap3A = arith.index_cast %add3A_128 : i32 to index
        %swap3A_137 = arith.constant 0 : index
        %swap3A_138 = tpu.vector_load %arg17[%swap3A, %swap3A_137] {strides = array<i32>} : memref<128x64xf32, #tpu.memory_space<vmem>>, vector<1x16xf32>,
        %swap3A_139 = vector.shape_cast %swap3A_138 : vector<1x16xf32> to vector<1x16xf32>
        %swap3A_140 = vector.shape_cast %add3A_136 : vector<1x16xf32> to vector<1x16xf32>
        tpu.vector_store %arg17[%swap3A, %swap3A_137], %swap3A_140 {strides = array<i32>} : memref<128x64xf32, #tpu.memory_space<vmem>>, vector<1x16xf32>,
        %add3A_141 = arith.constant 0 : i32
        %add3A_142 = arith.addi %add3A_126, %add3A_141 : i32
        %get3A_143 = arith.index_cast %add3A_142 : i32 to index
        %get3A_144 = arith.constant 16 : index
        %get3A_145 = tpu.vector_load %arg13[%get3A_143, %get3A_144] {strides = array<i32>} : memref<128x64xf32, #tpu.memory_space<vmem>>, vector<1x16xf32>,
        %get3A_146 = vector.shape_cast %get3A_145 : vector<1x16xf32> to vector<1x16xf32>
        %get3A_147 = arith.index_cast %add3A_142 : i32 to index
        %get3A_148 = arith.constant 16 : index
        %get3A_149 = tpu.vector_load %arg15[%get3A_147, %get3A_148] {strides = array<i32>} : memref<128x64xf32, #tpu.memory_space<vmem>>, vector<1x16xf32>,
        %get3A_150 = vector.shape_cast %get3A_149 : vector<1x16xf32> to vector<1x16xf32>
        %add3A_151 = arith.addf %get3A_146, %get3A_150 : vector<1x16xf32>
        %swap3A_152 = arith.index_cast %add3A_142 : i32 to index
        %swap3A_153 = arith.constant 16 : index
        %swap3A_154 = tpu.vector_load %arg17[%swap3A_152, %swap3A_153] {strides = array<i32>} : memref<128x64xf32, #tpu.memory_space<vmem>>, vector<1x16xf32>,
        %swap3A_155 = vector.shape_cast %swap3A_154 : vector<1x16xf32> to vector<1x16xf32>
        %swap3A_156 = vector.shape_cast %add3A_151 : vector<1x16xf32> to vector<1x16xf32>
        tpu.vector_store %arg17[%swap3A_152, %swap3A_153], %swap3A_156 {strides = array<i32>} : memref<128x64xf32, #tpu.memory_space<vmem>>, vector<1x16xf32>,
        %add3A_157 = arith.constant 0 : i32
        %add3A_158 = arith.addi %add3A_126, %add3A_157 : i32
        %get3A_159 = arith.index_cast %add3A_158 : i32 to index
        %get3A_160 = arith.constant 32 : index
        %get3A_161 = tpu.vector_load %arg13[%get3A_159, %get3A_160] {strides = array<i32>} : memref<128x64xf32, #tpu.memory_space<vmem>>, vector<1x16xf32>,
        %get3A_162 = vector.shape_cast %get3A_161 : vector<1x16xf32> to vector<1x16xf32>
        %get3A_163 = arith.index_cast %add3A_158 : i32 to index
        %get3A_164 = arith.constant 32 : index
        %get3A_165 = tpu.vector_load %arg15[%get3A_163, %get3A_164] {strides = array<i32>} : memref<128x64xf32, #tpu.memory_space<vmem>>, vector<1x16xf32>,
        %get3A_166 = vector.shape_cast %get3A_165 : vector<1x16xf32> to vector<1x16xf32>
        %add3A_167 = arith.addf %get3A_162, %get3A_166 : vector<1x16xf32>
        %swap3A_168 = arith.index_cast %add3A_158 : i32 to index
        %swap3A_169 = arith.constant 32 : index
        %swap3A_170 = tpu.vector_load %arg17[%swap3A_168, %swap3A_169] {strides = array<i32>} : memref<128x64xf32, #tpu.memory_space<vmem>>, vector<1x16xf32>,
        %swap3A_171 = vector.shape_cast %swap3A_170 : vector<1x16xf32> to vector<1x16xf32>
        %swap3A_172 = vector.shape_cast %add3A_167 : vector<1x16xf32> to vector<1x16xf32>
        tpu.vector_store %arg17[%swap3A_168, %swap3A_169], %swap3A_172 {strides = array<i32>} : memref<128x64xf32, #tpu.memory_space<vmem>>, vector<1x16xf32>,
        %add3A_173 = arith.constant 0 : i32
        %add3A_174 = arith.addi %add3A_126, %add3A_173 : i32
        %get3A_175 = arith.index_cast %add3A_174 : i32 to index
        %get3A_176 = arith.constant 48 : index
        %get3A_177 = tpu.vector_load %arg13[%get3A_175, %get3A_176] {strides = array<i32>} : memref<128x64xf32, #tpu.memory_space<vmem>>, vector<1x16xf32>,
        %get3A_178 = vector.shape_cast %get3A_177 : vector<1x16xf32> to vector<1x16xf32>
        %get3A_179 = arith.index_cast %add3A_174 : i32 to index
        %get3A_180 = arith.constant 48 : index
        %get3A_181 = tpu.vector_load %arg15[%get3A_179, %get3A_180] {strides = array<i32>} : memref<128x64xf32, #tpu.memory_space<vmem>>, vector<1x16xf32>,
        %get3A_182 = vector.shape_cast %get3A_181 : vector<1x16xf32> to vector<1x16xf32>
        %add3A_183 = arith.addf %get3A_178, %get3A_182 : vector<1x16xf32>
        %swap3A_184 = arith.index_cast %add3A_174 : i32 to index
        %swap3A_185 = arith.constant 48 : index
        %swap3A_186 = tpu.vector_load %arg17[%swap3A_184, %swap3A_185] {strides = array<i32>} : memref<128x64xf32, #tpu.memory_space<vmem>>, vector<1x16xf32>,
        %swap3A_187 = vector.shape_cast %swap3A_186 : vector<1x16xf32> to vector<1x16xf32>
        %swap3A_188 = vector.shape_cast %add3A_183 : vector<1x16xf32> to vector<1x16xf32>
        tpu.vector_store %arg17[%swap3A_184, %swap3A_185], %swap3A_188 {strides = array<i32>} : memref<128x64xf32, #tpu.memory_space<vmem>>, vector<1x16xf32>,
        %add3A_189 = arith.constant 1 : i32
        %add3A_190 = arith.addi %add3A_126, %add3A_189 : i32
        %get3A_191 = arith.index_cast %add3A_190 : i32 to index
        %get3A_192 = arith.constant 0 : index
        %get3A_193 = tpu.vector_load %arg13[%get3A_191, %get3A_192] {strides = array<i32>} : memref<128x64xf32, #tpu.memory_space<vmem>>, vector<1x16xf32>,
        %get3A_194 = vector.shape_cast %get3A_193 : vector<1x16xf32> to vector<1x16xf32>
        %get3A_195 = arith.index_cast %add3A_190 : i32 to index
        %get3A_196 = arith.constant 0 : index
        %get3A_197 = tpu.vector_load %arg15[%get3A_195, %get3A_196] {strides = array<i32>} : memref<128x64xf32, #tpu.memory_space<vmem>>, vector<1x16xf32>,
        %get3A_198 = vector.shape_cast %get3A_197 : vector<1x16xf32> to vector<1x16xf32>
        %add3A_199 = arith.addf %get3A_194, %get3A_198 : vector<1x16xf32>
        %swap3A_200 = arith.index_cast %add3A_190 : i32 to index
        %swap3A_201 = arith.constant 0 : index
        %swap3A_202 = tpu.vector_load %arg17[%swap3A_200, %swap3A_201] {strides = array<i32>} : memref<128x64xf32, #tpu.memory_space<vmem>>, vector<1x16xf32>,
        %swap3A_203 = vector.shape_cast %swap3A_202 : vector<1x16xf32> to vector<1x16xf32>
        %swap3A_204 = vector.shape_cast %add3A_199 : vector<1x16xf32> to vector<1x16xf32>
        tpu.vector_store %arg17[%swap3A_200, %swap3A_201], %swap3A_204 {strides = array<i32>} : memref<128x64xf32, #tpu.memory_space<vmem>>, vector<1x16xf32>,
        %add3A_205 = arith.constant 1 : i32
        %add3A_206 = arith.addi %add3A_126, %add3A_205 : i32
        %get3A_207 = arith.index_cast %add3A_206 : i32 to index
        %get3A_208 = arith.constant 16 : index
        %get3A_209 = tpu.vector_load %arg13[%get3A_207, %get3A_208] {strides = array<i32>} : memref<128x64xf32, #tpu.memory_space<vmem>>, vector<1x16xf32>,
        %get3A_210 = vector.shape_cast %get3A_209 : vector<1x16xf32> to vector<1x16xf32>
        %get3A_211 = arith.index_cast %add3A_206 : i32 to index
        %get3A_212 = arith.constant 16 : index
        %get3A_213 = tpu.vector_load %arg15[%get3A_211, %get3A_212] {strides = array<i32>} : memref<128x64xf32, #tpu.memory_space<vmem>>, vector<1x16xf32>,
        %get3A_214 = vector.shape_cast %get3A_213 : vector<1x16xf32> to vector<1x16xf32>
        %add3A_215 = arith.addf %get3A_210, %get3A_214 : vector<1x16xf32>
        %swap3A_216 = arith.index_cast %add3A_206 : i32 to index
        %swap3A_217 = arith.constant 16 : index
        %swap3A_218 = tpu.vector_load %arg17[%swap3A_216, %swap3A_217] {strides = array<i32>} : memref<128x64xf32, #tpu.memory_space<vmem>>, vector<1x16xf32>,
        %swap3A_219 = vector.shape_cast %swap3A_218 : vector<1x16xf32> to vector<1x16xf32>
        %swap3A_220 = vector.shape_cast %add3A_215 : vector<1x16xf32> to vector<1x16xf32>
        tpu.vector_store %arg17[%swap3A_216, %swap3A_217], %swap3A_220 {strides = array<i32>} : memref<128x64xf32, #tpu.memory_space<vmem>>, vector<1x16xf32>,
        %add3A_221 = arith.constant 1 : i32
        %add3A_222 = arith.addi %add3A_126, %add3A_221 : i32
        %get3A_223 = arith.index_cast %add3A_222 : i32 to index
        %get3A_224 = arith.constant 32 : index
        %get3A_225 = tpu.vector_load %arg13[%get3A_223, %get3A_224] {strides = array<i32>} : memref<128x64xf32, #tpu.memory_space<vmem>>, vector<1x16xf32>,
        %get3A_226 = vector.shape_cast %get3A_225 : vector<1x16xf32> to vector<1x16xf32>
        %get3A_227 = arith.index_cast %add3A_222 : i32 to index
        %get3A_228 = arith.constant 32 : index
        %get3A_229 = tpu.vector_load %arg15[%get3A_227, %get3A_228] {strides = array<i32>} : memref<128x64xf32, #tpu.memory_space<vmem>>, vector<1x16xf32>,
        %get3A_230 = vector.shape_cast %get3A_229 : vector<1x16xf32> to vector<1x16xf32>
        %add3A_231 = arith.addf %get3A_226, %get3A_230 : vector<1x16xf32>
        %swap3A_232 = arith.index_cast %add3A_222 : i32 to index
        %swap3A_233 = arith.constant 32 : index
        %swap3A_234 = tpu.vector_load %arg17[%swap3A_232, %swap3A_233] {strides = array<i32>} : memref<128x64xf32, #tpu.memory_space<vmem>>, vector<1x16xf32>,
        %swap3A_235 = vector.shape_cast %swap3A_234 : vector<1x16xf32> to vector<1x16xf32>
        %swap3A_236 = vector.shape_cast %add3A_231 : vector<1x16xf32> to vector<1x16xf32>
        tpu.vector_store %arg17[%swap3A_232, %swap3A_233], %swap3A_236 {strides = array<i32>} : memref<128x64xf32, #tpu.memory_space<vmem>>, vector<1x16xf32>,
        %add3A_237 = arith.constant 1 : i32
        %add3A_238 = arith.addi %add3A_126, %add3A_237 : i32
        %get3A_239 = arith.index_cast %add3A_238 : i32 to index
        %get3A_240 = arith.constant 48 : index
        %get3A_241 = tpu.vector_load %arg13[%get3A_239, %get3A_240] {strides = array<i32>} : memref<128x64xf32, #tpu.memory_space<vmem>>, vector<1x16xf32>,
        %get3A_242 = vector.shape_cast %get3A_241 : vector<1x16xf32> to vector<1x16xf32>
        %get3A_243 = arith.index_cast %add3A_238 : i32 to index
        %get3A_244 = arith.constant 48 : index
        %get3A_245 = tpu.vector_load %arg15[%get3A_243, %get3A_244] {strides = array<i32>} : memref<128x64xf32, #tpu.memory_space<vmem>>, vector<1x16xf32>,
        %get3A_246 = vector.shape_cast %get3A_245 : vector<1x16xf32> to vector<1x16xf32>
        %add3A_247 = arith.addf %get3A_242, %get3A_246 : vector<1x16xf32>
        %swap3A_248 = arith.index_cast %add3A_238 : i32 to index
        %swap3A_249 = arith.constant 48 : index
        %swap3A_250 = tpu.vector_load %arg17[%swap3A_248, %swap3A_249] {strides = array<i32>} : memref<128x64xf32, #tpu.memory_space<vmem>>, vector<1x16xf32>,
        %swap3A_251 = vector.shape_cast %swap3A_250 : vector<1x16xf32> to vector<1x16xf32>
        %swap3A_252 = vector.shape_cast %add3A_247 : vector<1x16xf32> to vector<1x16xf32>
        tpu.vector_store %arg17[%swap3A_248, %swap3A_249], %swap3A_252 {strides = array<i32>} : memref<128x64xf32, #tpu.memory_space<vmem>>, vector<1x16xf32>,
        %add3A_253 = arith.constant 2 : i32
        %add3A_254 = arith.addi %add3A_126, %add3A_253 : i32
        %get3A_255 = arith.index_cast %add3A_254 : i32 to index
        %get3A_256 = arith.constant 0 : index
        %get3A_257 = tpu.vector_load %arg13[%get3A_255, %get3A_256] {strides = array<i32>} : memref<128x64xf32, #tpu.memory_space<vmem>>, vector<1x16xf32>,
        %get3A_258 = vector.shape_cast %get3A_257 : vector<1x16xf32> to vector<1x16xf32>
        %get3A_259 = arith.index_cast %add3A_254 : i32 to index
        %get3A_260 = arith.constant 0 : index
        %get3A_261 = tpu.vector_load %arg15[%get3A_259, %get3A_260] {strides = array<i32>} : memref<128x64xf32, #tpu.memory_space<vmem>>, vector<1x16xf32>,
        %get3A_262 = vector.shape_cast %get3A_261 : vector<1x16xf32> to vector<1x16xf32>
        %add3A_263 = arith.addf %get3A_258, %get3A_262 : vector<1x16xf32>
        %swap3A_264 = arith.index_cast %add3A_254 : i32 to index
        %swap3A_265 = arith.constant 0 : index
        %swap3A_266 = tpu.vector_load %arg17[%swap3A_264, %swap3A_265] {strides = array<i32>} : memref<128x64xf32, #tpu.memory_space<vmem>>, vector<1x16xf32>,
        %swap3A_267 = vector.shape_cast %swap3A_266 : vector<1x16xf32> to vector<1x16xf32>
        %swap3A_268 = vector.shape_cast %add3A_263 : vector<1x16xf32> to vector<1x16xf32>
        tpu.vector_store %arg17[%swap3A_264, %swap3A_265], %swap3A_268 {strides = array<i32>} : memref<128x64xf32, #tpu.memory_space<vmem>>, vector<1x16xf32>,
        %add3A_269 = arith.constant 2 : i32
        %add3A_270 = arith.addi %add3A_126, %add3A_269 : i32
        %get3A_271 = arith.index_cast %add3A_270 : i32 to index
        %get3A_272 = arith.constant 16 : index
        %get3A_273 = tpu.vector_load %arg13[%get3A_271, %get3A_272] {strides = array<i32>} : memref<128x64xf32, #tpu.memory_space<vmem>>, vector<1x16xf32>,
        %get3A_274 = vector.shape_cast %get3A_273 : vector<1x16xf32> to vector<1x16xf32>
        %get3A_275 = arith.index_cast %add3A_270 : i32 to index
        %get3A_276 = arith.constant 16 : index
        %get3A_277 = tpu.vector_load %arg15[%get3A_275, %get3A_276] {strides = array<i32>} : memref<128x64xf32, #tpu.memory_space<vmem>>, vector<1x16xf32>,
        %get3A_278 = vector.shape_cast %get3A_277 : vector<1x16xf32> to vector<1x16xf32>
        %add3A_279 = arith.addf %get3A_274, %get3A_278 : vector<1x16xf32>
        %swap3A_280 = arith.index_cast %add3A_270 : i32 to index
        %swap3A_281 = arith.constant 16 : index
        %swap3A_282 = tpu.vector_load %arg17[%swap3A_280, %swap3A_281] {strides = array<i32>} : memref<128x64xf32, #tpu.memory_space<vmem>>, vector<1x16xf32>,
        %swap3A_283 = vector.shape_cast %swap3A_282 : vector<1x16xf32> to vector<1x16xf32>
        %swap3A_284 = vector.shape_cast %add3A_279 : vector<1x16xf32> to vector<1x16xf32>
        tpu.vector_store %arg17[%swap3A_280, %swap3A_281], %swap3A_284 {strides = array<i32>} : memref<128x64xf32, #tpu.memory_space<vmem>>, vector<1x16xf32>,
        %add3A_285 = arith.constant 2 : i32
        %add3A_286 = arith.addi %add3A_126, %add3A_285 : i32
        %get3A_287 = arith.index_cast %add3A_286 : i32 to index
        %get3A_288 = arith.constant 32 : index
        %get3A_289 = tpu.vector_load %arg13[%get3A_287, %get3A_288] {strides = array<i32>} : memref<128x64xf32, #tpu.memory_space<vmem>>, vector<1x16xf32>,
        %get3A_290 = vector.shape_cast %get3A_289 : vector<1x16xf32> to vector<1x16xf32>
        %get3A_291 = arith.index_cast %add3A_286 : i32 to index
        %get3A_292 = arith.constant 32 : index
        %get3A_293 = tpu.vector_load %arg15[%get3A_291, %get3A_292] {strides = array<i32>} : memref<128x64xf32, #tpu.memory_space<vmem>>, vector<1x16xf32>,
        %get3A_294 = vector.shape_cast %get3A_293 : vector<1x16xf32> to vector<1x16xf32>
        %add3A_295 = arith.addf %get3A_290, %get3A_294 : vector<1x16xf32>
        %swap3A_296 = arith.index_cast %add3A_286 : i32 to index
        %swap3A_297 = arith.constant 32 : index
        %swap3A_298 = tpu.vector_load %arg17[%swap3A_296, %swap3A_297] {strides = array<i32>} : memref<128x64xf32, #tpu.memory_space<vmem>>, vector<1x16xf32>,
        %swap3A_299 = vector.shape_cast %swap3A_298 : vector<1x16xf32> to vector<1x16xf32>
        %swap3A_300 = vector.shape_cast %add3A_295 : vector<1x16xf32> to vector<1x16xf32>
        tpu.vector_store %arg17[%swap3A_296, %swap3A_297], %swap3A_300 {strides = array<i32>} : memref<128x64xf32, #tpu.memory_space<vmem>>, vector<1x16xf32>,
        %add3A_301 = arith.constant 2 : i32
        %add3A_302 = arith.addi %add3A_126, %add3A_301 : i32
        %get3A_303 = arith.index_cast %add3A_302 : i32 to index
        %get3A_304 = arith.constant 48 : index
        %get3A_305 = tpu.vector_load %arg13[%get3A_303, %get3A_304] {strides = array<i32>} : memref<128x64xf32, #tpu.memory_space<vmem>>, vector<1x16xf32>,
        %get3A_306 = vector.shape_cast %get3A_305 : vector<1x16xf32> to vector<1x16xf32>
        %get3A_307 = arith.index_cast %add3A_302 : i32 to index
        %get3A_308 = arith.constant 48 : index
        %get3A_309 = tpu.vector_load %arg15[%get3A_307, %get3A_308] {strides = array<i32>} : memref<128x64xf32, #tpu.memory_space<vmem>>, vector<1x16xf32>,
        %get3A_310 = vector.shape_cast %get3A_309 : vector<1x16xf32> to vector<1x16xf32>
        %add3A_311 = arith.addf %get3A_306, %get3A_310 : vector<1x16xf32>
        %swap3A_312 = arith.index_cast %add3A_302 : i32 to index
        %swap3A_313 = arith.constant 48 : index
        %swap3A_314 = tpu.vector_load %arg17[%swap3A_312, %swap3A_313] {strides = array<i32>} : memref<128x64xf32, #tpu.memory_space<vmem>>, vector<1x16xf32>,
        %swap3A_315 = vector.shape_cast %swap3A_314 : vector<1x16xf32> to vector<1x16xf32>
        %swap3A_316 = vector.shape_cast %add3A_311 : vector<1x16xf32> to vector<1x16xf32>
        tpu.vector_store %arg17[%swap3A_312, %swap3A_313], %swap3A_316 {strides = array<i32>} : memref<128x64xf32, #tpu.memory_space<vmem>>, vector<1x16xf32>,
        %add3A_317 = arith.constant 3 : i32
        %add3A_318 = arith.addi %add3A_126, %add3A_317 : i32
        %get3A_319 = arith.index_cast %add3A_318 : i32 to index
        %get3A_320 = arith.constant 0 : index
        %get3A_321 = tpu.vector_load %arg13[%get3A_319, %get3A_320] {strides = array<i32>} : memref<128x64xf32, #tpu.memory_space<vmem>>, vector<1x16xf32>,
        %get3A_322 = vector.shape_cast %get3A_321 : vector<1x16xf32> to vector<1x16xf32>
        %get3A_323 = arith.index_cast %add3A_318 : i32 to index
        %get3A_324 = arith.constant 0 : index
        %get3A_325 = tpu.vector_load %arg15[%get3A_323, %get3A_324] {strides = array<i32>} : memref<128x64xf32, #tpu.memory_space<vmem>>, vector<1x16xf32>,
        %get3A_326 = vector.shape_cast %get3A_325 : vector<1x16xf32> to vector<1x16xf32>
        %add3A_327 = arith.addf %get3A_322, %get3A_326 : vector<1x16xf32>
        %swap3A_328 = arith.index_cast %add3A_318 : i32 to index
        %swap3A_329 = arith.constant 0 : index
        %swap3A_330 = tpu.vector_load %arg17[%swap3A_328, %swap3A_329] {strides = array<i32>} : memref<128x64xf32, #tpu.memory_space<vmem>>, vector<1x16xf32>,
        %swap3A_331 = vector.shape_cast %swap3A_330 : vector<1x16xf32> to vector<1x16xf32>
        %swap3A_332 = vector.shape_cast %add3A_327 : vector<1x16xf32> to vector<1x16xf32>
        tpu.vector_store %arg17[%swap3A_328, %swap3A_329], %swap3A_332 {strides = array<i32>} : memref<128x64xf32, #tpu.memory_space<vmem>>, vector<1x16xf32>,
        %add3A_333 = arith.constant 3 : i32
        %add3A_334 = arith.addi %add3A_126, %add3A_333 : i32
        %get3A_335 = arith.index_cast %add3A_334 : i32 to index
        %get3A_336 = arith.constant 16 : index
        %get3A_337 = tpu.vector_load %arg13[%get3A_335, %get3A_336] {strides = array<i32>} : memref<128x64xf32, #tpu.memory_space<vmem>>, vector<1x16xf32>,
        %get3A_338 = vector.shape_cast %get3A_337 : vector<1x16xf32> to vector<1x16xf32>
        %get3A_339 = arith.index_cast %add3A_334 : i32 to index
        %get3A_340 = arith.constant 16 : index
        %get3A_341 = tpu.vector_load %arg15[%get3A_339, %get3A_340] {strides = array<i32>} : memref<128x64xf32, #tpu.memory_space<vmem>>, vector<1x16xf32>,
        %get3A_342 = vector.shape_cast %get3A_341 : vector<1x16xf32> to vector<1x16xf32>
        %add3A_343 = arith.addf %get3A_338, %get3A_342 : vector<1x16xf32>
        %swap3A_344 = arith.index_cast %add3A_334 : i32 to index
        %swap3A_345 = arith.constant 16 : index
        %swap3A_346 = tpu.vector_load %arg17[%swap3A_344, %swap3A_345] {strides = array<i32>} : memref<128x64xf32, #tpu.memory_space<vmem>>, vector<1x16xf32>,
        %swap3A_347 = vector.shape_cast %swap3A_346 : vector<1x16xf32> to vector<1x16xf32>
        %swap3A_348 = vector.shape_cast %add3A_343 : vector<1x16xf32> to vector<1x16xf32>
        tpu.vector_store %arg17[%swap3A_344, %swap3A_345], %swap3A_348 {strides = array<i32>} : memref<128x64xf32, #tpu.memory_space<vmem>>, vector<1x16xf32>,
        %add3A_349 = arith.constant 3 : i32
        %add3A_350 = arith.addi %add3A_126, %add3A_349 : i32
        %get3A_351 = arith.index_cast %add3A_350 : i32 to index
        %get3A_352 = arith.constant 32 : index
        %get3A_353 = tpu.vector_load %arg13[%get3A_351, %get3A_352] {strides = array<i32>} : memref<128x64xf32, #tpu.memory_space<vmem>>, vector<1x16xf32>,
        %get3A_354 = vector.shape_cast %get3A_353 : vector<1x16xf32> to vector<1x16xf32>
        %get3A_355 = arith.index_cast %add3A_350 : i32 to index
        %get3A_356 = arith.constant 32 : index
        %get3A_357 = tpu.vector_load %arg15[%get3A_355, %get3A_356] {strides = array<i32>} : memref<128x64xf32, #tpu.memory_space<vmem>>, vector<1x16xf32>,
        %get3A_358 = vector.shape_cast %get3A_357 : vector<1x16xf32> to vector<1x16xf32>
        %add3A_359 = arith.addf %get3A_354, %get3A_358 : vector<1x16xf32>
        %swap3A_360 = arith.index_cast %add3A_350 : i32 to index
        %swap3A_361 = arith.constant 32 : index
        %swap3A_362 = tpu.vector_load %arg17[%swap3A_360, %swap3A_361] {strides = array<i32>} : memref<128x64xf32, #tpu.memory_space<vmem>>, vector<1x16xf32>,
        %swap3A_363 = vector.shape_cast %swap3A_362 : vector<1x16xf32> to vector<1x16xf32>
        %swap3A_364 = vector.shape_cast %add3A_359 : vector<1x16xf32> to vector<1x16xf32>
        tpu.vector_store %arg17[%swap3A_360, %swap3A_361], %swap3A_364 {strides = array<i32>} : memref<128x64xf32, #tpu.memory_space<vmem>>, vector<1x16xf32>,
        %add3A_365 = arith.constant 3 : i32
        %add3A_366 = arith.addi %add3A_126, %add3A_365 : i32
        %get3A_367 = arith.index_cast %add3A_366 : i32 to index
        %get3A_368 = arith.constant 48 : index
        %get3A_369 = tpu.vector_load %arg13[%get3A_367, %get3A_368] {strides = array<i32>} : memref<128x64xf32, #tpu.memory_space<vmem>>, vector<1x16xf32>,
        %get3A_370 = vector.shape_cast %get3A_369 : vector<1x16xf32> to vector<1x16xf32>
        %get3A_371 = arith.index_cast %add3A_366 : i32 to index
        %get3A_372 = arith.constant 48 : index
        %get3A_373 = tpu.vector_load %arg15[%get3A_371, %get3A_372] {strides = array<i32>} : memref<128x64xf32, #tpu.memory_space<vmem>>, vector<1x16xf32>,
        %get3A_374 = vector.shape_cast %get3A_373 : vector<1x16xf32> to vector<1x16xf32>
        %add3A_375 = arith.addf %get3A_370, %get3A_374 : vector<1x16xf32>
        %swap3A_376 = arith.index_cast %add3A_366 : i32 to index
        %swap3A_377 = arith.constant 48 : index
        %swap3A_378 = tpu.vector_load %arg17[%swap3A_376, %swap3A_377] {strides = array<i32>} : memref<128x64xf32, #tpu.memory_space<vmem>>, vector<1x16xf32>,
        %swap3A_379 = vector.shape_cast %swap3A_378 : vector<1x16xf32> to vector<1x16xf32>
        %swap3A_380 = vector.shape_cast %add3A_375 : vector<1x16xf32> to vector<1x16xf32>
        tpu.vector_store %arg17[%swap3A_376, %swap3A_377], %swap3A_380 {strides = array<i32>} : memref<128x64xf32, #tpu.memory_space<vmem>>, vector<1x16xf32>,
      }
      %scan3A_107 = arith.constant 32 : i32
      %add3A_108 = arith.addi %mul3A_4, %add3A_84 : i32
      %mul3A_109 = arith.constant 128 : i32
      %mul3A_110 = arith.muli %add3A_108, %mul3A_109 : i32
      %dma_start3A_111 = arith.constant 0 : i32
      %dma_start3A_112 = tpu.memref_slice %arg6[%mul3A_110, %dma_start3A_111] : memref<819200x64xf32, #tpu.memory_space<hbm>> -> memref<128x64xf32, #tpu.memory_space<hbm>>
      %dma_start3A_113 = arith.constant 0 : i32
      %dma_start3A_114 = tpu.memref_slice %arg6[%mul3A_110, %dma_start3A_113] : memref<819200x64xf32, #tpu.memory_space<hbm>> -> memref<128x64xf32, #tpu.memory_space<hbm>>
      tpu.enqueue_dma source(%arg17 : memref<128x64xf32, #tpu.memory_space<vmem>>) target(%dma_start3A_114 : memref<128x64xf32, #tpu.memory_space<hbm>>) target_semaphore(%arg25 : memref<!tpu.dma_semaphore, #tpu.memory_space<semaphore_mem>>)
      %add3A_115 = arith.constant 2 : i32
      %add3A_116 = arith.addi %add3A_84, %add3A_115 : i32
      %lt3A_117 = arith.constant 200 : i32
      %lt3A_118 = arith.cmpi slt, %add3A_116, %lt3A_117 : i32
      %convert_element_type3A_119 = arith.extui %lt3A_118 : i1 to i32
      %cond3A_120 = arith.constant 0 : i32
      %cond3A_121 = arith.cmpi ne, %convert_element_type3A_119, %cond3A_120 : i32
      scf.if %cond3A_121 {
        %dma_wait3A_122 = arith.constant 0 : i32
        %dma_wait3A_123 = tpu.memref_slice %arg4[%dma_wait3A_122] : memref<819200xi32, #tpu.memory_space<hbm>> -> memref<128xi32, #tpu.memory_space<hbm>>
        %dma_wait3A_124 = arith.constant 0 : i32
        %dma_wait3A_125 = tpu.memref_slice %arg4[%dma_wait3A_124] : memref<819200xi32, #tpu.memory_space<hbm>> -> memref<128xi32, #tpu.memory_space<hbm>>
        tpu.wait_dma2 semaphore(%arg19 : memref<!tpu.dma_semaphore, #tpu.memory_space<semaphore_mem>>) src(%dma_wait3A_125 : memref<128xi32, #tpu.memory_space<hbm>>) dst(%arg9 : memref<128xi32, #tpu.memory_space<vmem>>)
        %dma_wait3A_126 = arith.constant 0 : i32
        %dma_wait3A_127 = tpu.memref_slice %arg5[%dma_wait3A_126] : memref<819200xi32, #tpu.memory_space<hbm>> -> memref<128xi32, #tpu.memory_space<hbm>>
        %dma_wait3A_128 = arith.constant 0 : i32
        %dma_wait3A_129 = tpu.memref_slice %arg5[%dma_wait3A_128] : memref<819200xi32, #tpu.memory_space<hbm>> -> memref<128xi32, #tpu.memory_space<hbm>>
        tpu.wait_dma2 semaphore(%arg19 : memref<!tpu.dma_semaphore, #tpu.memory_space<semaphore_mem>>) src(%dma_wait3A_129 : memref<128xi32, #tpu.memory_space<hbm>>) dst(%arg11 : memref<128xi32, #tpu.memory_space<vmem>>)
        %dma_start3A_130 = arith.constant 0 : i32
        %dma_start3A_131 = arith.constant 0 : i32
        %dma_start3A_132 = tpu.memref_slice %arg2[%dma_start3A_130, %dma_start3A_131] : memref<1000000x64xf32, #tpu.memory_space<hbm>> -> memref<1000000x64xf32, #tpu.memory_space<hbm>>
        tpu.enqueue_indirect_dma source(%dma_start3A_132 : memref<1000000x64xf32, #tpu.memory_space<hbm>>) target(%arg13 : memref<128x64xf32, #tpu.memory_space<vmem>>) offsets(%arg9 : memref<128xi32, #tpu.memory_space<vmem>>) semaphore(%arg21 : memref<!tpu.dma_semaphore, #tpu.memory_space<semaphore_mem>>)
        %dma_start3A_133 = arith.constant 0 : i32
        %dma_start3A_134 = arith.constant 0 : i32
        %dma_start3A_135 = tpu.memref_slice %arg7[%dma_start3A_133, %dma_start3A_134] : memref<600x64xf32, #tpu.memory_space<vmem_shared>> -> memref<600x64xf32, #tpu.memory_space<vmem_shared>>
        tpu.enqueue_indirect_dma source(%dma_start3A_135 : memref<600x64xf32, #tpu.memory_space<vmem_shared>>) target(%arg15 : memref<128x64xf32, #tpu.memory_space<vmem>>) offsets(%arg11 : memref<128xi32, #tpu.memory_space<vmem>>) semaphore(%arg23 : memref<!tpu.dma_semaphore, #tpu.memory_space<semaphore_mem>>)
      } else {
      }
    }
    %scan3A_27 = arith.constant 100 : i32
    %add3A_28 = arith.constant 198 : i32
    %add3A_29 = arith.addi %mul3A_4, %add3A_28 : i32
    %mul3A_30 = arith.constant 128 : i32
    %mul3A_31 = arith.muli %add3A_29, %mul3A_30 : i32
    %dma_wait3A = arith.constant 0 : i32
    %dma_wait3A_32 = tpu.memref_slice %arg6[%mul3A_31, %dma_wait3A] : memref<819200x64xf32, #tpu.memory_space<hbm>> -> memref<128x64xf32, #tpu.memory_space<hbm>>
    %dma_wait3A_33 = arith.constant 0 : i32
    %dma_wait3A_34 = tpu.memref_slice %arg6[%mul3A_31, %dma_wait3A_33] : memref<819200x64xf32, #tpu.memory_space<hbm>> -> memref<128x64xf32, #tpu.memory_space<hbm>>
    tpu.wait_dma2 semaphore(%arg24 : memref<!tpu.dma_semaphore, #tpu.memory_space<semaphore_mem>>) src(%arg16 : memref<128x64xf32, #tpu.memory_space<vmem>>) dst(%dma_wait3A_34 : memref<128x64xf32, #tpu.memory_space<hbm>>)
    %add3A_35 = arith.constant 199 : i32
    %add3A_36 = arith.addi %mul3A_4, %add3A_35 : i32
    %mul3A_37 = arith.constant 128 : i32
    %mul3A_38 = arith.muli %add3A_36, %mul3A_37 : i32
    %dma_wait3A_39 = arith.constant 0 : i32
    %dma_wait3A_40 = tpu.memref_slice %arg6[%mul3A_38, %dma_wait3A_39] : memref<819200x64xf32, #tpu.memory_space<hbm>> -> memref<128x64xf32, #tpu.memory_space<hbm>>
    %dma_wait3A_41 = arith.constant 0 : i32
    %dma_wait3A_42 = tpu.memref_slice %arg6[%mul3A_38, %dma_wait3A_41] : memref<819200x64xf32, #tpu.memory_space<hbm>> -> memref<128x64xf32, #tpu.memory_space<hbm>>
    tpu.wait_dma2 semaphore(%arg25 : memref<!tpu.dma_semaphore, #tpu.memory_space<semaphore_mem>>) src(%arg17 : memref<128x64xf32, #tpu.memory_space<vmem>>) dst(%dma_wait3A_42 : memref<128x64xf32, #tpu.memory_space<hbm>>)
    return
  }
}

module attributes {stable_mosaic.version = 14 : i64} {
  func.func @_prep_body(%arg0: memref<4096x200xi32, #tpu.memory_space<vmem>>, %arg1: memref<3x64xf32, #tpu.memory_space<vmem>>, %arg2: memref<1x200x64xf32, #tpu.memory_space<vmem>>, %arg3: memref<3x200x64xf32, #tpu.memory_space<vmem>>, %arg4: memref<4096x200xi32, #tpu.memory_space<vmem>>) attributes {dimension_semantics = [], scalar_prefetch = 0 : i64, scratch_operands = 0 : i64, tpu.core_type = #tpu.core_type<tc>} {
    %get3A = arith.constant 0 : index
    %get3A_0 = arith.constant 0 : index
    %get3A_1 = arith.constant 0 : index
    %get3A_2 = vector.load %arg2[%get3A, %get3A_0, %get3A_1] : memref<1x200x64xf32, #tpu.memory_space<vmem>>, vector<1x200x64xf32>
    %get3A_3 = arith.constant 0 : index
    %get3A_4 = arith.constant 0 : index
    %get3A_5 = vector.load %arg1[%get3A_3, %get3A_4] : memref<3x64xf32, #tpu.memory_space<vmem>>, vector<3x64xf32>
    %broadcast_in_dim3A = vector.shape_cast %get3A_5 : vector<3x64xf32> to vector<3x1x64xf32>
    %add3A = vector.broadcast %get3A_2 : vector<1x200x64xf32> to vector<3x200x64xf32>
    %add3A_6 = vector.broadcast %broadcast_in_dim3A : vector<3x1x64xf32> to vector<3x200x64xf32>
    %add3A_7 = arith.addf %add3A, %add3A_6 : vector<3x200x64xf32>
    %swap3A = arith.constant 0 : index
    %swap3A_8 = arith.constant 0 : index
    %swap3A_9 = arith.constant 0 : index
    %swap3A_10 = vector.load %arg3[%swap3A, %swap3A_8, %swap3A_9] : memref<3x200x64xf32, #tpu.memory_space<vmem>>, vector<3x200x64xf32>
    tpu.vector_store %arg3[%swap3A, %swap3A_8, %swap3A_9], %add3A_7 {strides = array<i32>} : memref<3x200x64xf32, #tpu.memory_space<vmem>>, vector<3x200x64xf32>,
    %iota3A = tpu.iota {dimensions = array<i32: 1>} : vector<4096x200xi32>
    %get3A_11 = arith.constant 0 : index
    %get3A_12 = arith.constant 0 : index
    %get3A_13 = vector.load %arg0[%get3A_11, %get3A_12] : memref<4096x200xi32, #tpu.memory_space<vmem>>, vector<4096x200xi32>
    %mul3A = arith.constant 200 : i32
    %mul3A_14 = vector.broadcast %mul3A : i32 to vector<4096x200xi32>
    %mul3A_15 = arith.muli %get3A_13, %mul3A_14 : vector<4096x200xi32>
    %add3A_16 = arith.addi %mul3A_15, %iota3A : vector<4096x200xi32>
    %swap3A_17 = arith.constant 0 : index
    %swap3A_18 = arith.constant 0 : index
    %swap3A_19 = vector.load %arg4[%swap3A_17, %swap3A_18] : memref<4096x200xi32, #tpu.memory_space<vmem>>, vector<4096x200xi32>
    tpu.vector_store %arg4[%swap3A_17, %swap3A_18], %add3A_16 {strides = array<i32>} : memref<4096x200xi32, #tpu.memory_space<vmem>>, vector<4096x200xi32>,
    return
  }
}

</mosaic_0001>

<sc_bundles>
// kernel: kernel.4.cloned.1.call-start
scs
__scs_entry_jumppad:
0x0: {  	(pc) =	sbr.rel $0x88, $3  }
0x1: {  	(tag) =	ssettag $0x0;
	lr =	simm.s32 $0x1  }
0x2: {  	[smem:$0x3F9C] =	sst lr;
	_ =	strace $0xD0000000  }
0x3: {  	_ = 	snop  }
0x4: {  	_ = 	snop  }
0x5: {  	_ = 	snop  }
0x6: {  	_ = 	snop  }
0x7: {  	_ = 	snop  }
__scs_overlays_trampoline_lowered:
0x8: {  	[smem:$0x3FAB] =	sst s0  }
0x9: {  	[smem:$0x3FAC] =	sst s1  }
0xa: {  	[smem:$0x3FAD] =	sst s2  }
0xb: {  	[smem:$0x3FAE] =	sst s3  }
0xc: {  	[smem:$0x3FAF] =	sst s4  }
0xd: {  	[smem:$0x3FB0] =	sst s5  }
0xe: {  	[smem:$0x3FB1] =	sst s6  }
0xf: {  	[smem:$0x3FB2] =	sst s7  }
0x10: {  	[smem:$0x3FB3] =	sst s8  }
0x11: {  	[smem:$0x3FB4] =	sst s9;
	s0 =	simm.s32 @!p0 $0x0  }
0x12: {  	s1 =	sld [smem:$0x3F9A];
	s0 =	simm.s32 @p0 $0x1  }
0x13: {  	[smem:$0x3FB5] =	sst s0;
	s0 =	simm.s32 @!p1 $0x0  }
0x14: {  	s2 =	sld [smem:$0x3F99];
	s0 =	simm.s32 @p1 $0x1  }
0x15: {  	[smem:$0x3FB6] =	sst s0;
	s0 =	simm.s32 @!p2 $0x0  }
0x16: {  	s3 =	sld [smem:$0x3FDB];
	s0 =	simm.s32 @p2 $0x1  }
0x17: {  	s4 =	simm.s32 $0x1BF5;
	[smem:$0x3FB8] =	sst s0  }
0x18: {  	s0 =	sld [smem:$0x3F9B];
	_ =	swait.ge [sflag:s4], $0x0  }
0x19: {  	s7 =	sld [smem:$0x3F9C]  }
0x1a: {  	s8 =	sadd.s32 $0xFFFFE003, lr  }
0x1b: {  	s9 =	sadd.s32 $0xFFFFFEF7, lr;
	s5 =	simm.s32 $0xFFFFFFFF;
	p2 =	slt.u32 s8, $0xFFFFF086  }
0x1c: {  	p1 =	slt.u32 s9, $0xF7A;
	s5 =	simm.s32 @!p2 $0x0  }
0x1d: {  	s5 =	simm.s32 @p1 $0x1;
	p0 =	seq.s32 s7, s2  }
0x1e: {  	s7 =	smul.u32 @!p0 $0xF7A, s2;
	p2 =	seq.s32 @!p0 s5, $0x0  }
0x1f: {  	s9 =	smul.u32 $0xF7A, s1;
	s8 =	simm.s32 @!p0 $0x1BF5;
	p2 =	por !p2, p0  }
0x20: {  	[sflag:s8] =	ssyncset.s32 @!p0 $0xFFFFF086;
	s6 =	sadd.s32 @!p0 s3, s7;
	s7 =	simm.s32 @!p0 $0x108  }
0x21: {  	s3 =	sadd.s32 s3, s9;
	s6 =	sadd.s32 @!p0 $0x88, s6;
	s7 =	simm.s32 @p2 $0x1082  }
0x22: {  	[simem:s7], [sflag:s8] =	dma.local @!p0 [hbm:s6], $0xF7A  }
0x23: {  	s9 =	sor.u32 $0xD0000000, s2;
	s6 =	simm.s32 $0x108;
	_ =	swait.ge @!p0 [sflag:s8], $0x0  }
0x24: {  	s3 =	sadd.s32 $0x88, s3;
	s6 =	simm.s32 @!p1 $0x1082;
	[sflag:s4] =	ssyncset.s32 $0xFFFFF086  }
0x25: {  	[simem:s6], [sflag:s4] =	dma.local [hbm:s3], $0xF7A  }
0x26: {  	[smem:$0x3F9C] =	sst s1;
	(tag) =	ssettag s2;
	_ =	strace s9  }
0x27: {  	s1 =	sld [smem:$0x3FAC]  }
0x28: {  	s2 =	sld [smem:$0x3FAD]  }
0x29: {  	s4 =	sld [smem:$0x3FAF]  }
0x2a: {  	p0 =	seq.s32 s5, $0x0;
	s5 =	sld [smem:$0x3FB0]  }
0x2b: {  	s6 =	sld [smem:$0x3FB1]  }
0x2c: {  	s7 =	sld [smem:$0x3FB2]  }
0x2d: {  	s3 =	simm.s32 $0x108;
	s8 =	sld [smem:$0x3FB3]  }
0x2e: {  	s3 =	simm.s32 @!p0 $0x1082;
	s9 =	sld [smem:$0x3FB4]  }
0x2f: {  	lr =	sadd.s32 s0, s3;
	s0 =	sld [smem:$0x3FAB]  }
0x30: {  	s3 =	sld [smem:$0x3FAE]  }
0x31: {  	[smem:$0x3FB7] =	sst s10  }
0x32: {  	s10 =	sld [smem:$0x3FB5];
	_ =	sdelay $0x3  }
0x33: {  	p0 =	seq.s32 s10, $0x1;
	s10 =	sld [smem:$0x3FB7];
	_ =	sdelay $0x3  }
0x34: {  	[smem:$0x3FB7] =	sst s10  }
0x35: {  	s10 =	sld [smem:$0x3FB6];
	_ =	sdelay $0x3  }
0x36: {  	p1 =	seq.s32 s10, $0x1;
	s10 =	sld [smem:$0x3FB7];
	_ =	sdelay $0x3  }
0x37: {  	[smem:$0x3FB7] =	sst s10  }
0x38: {  	s10 =	sld [smem:$0x3FB8]  }
0x39: {  	_ = 	snop;
	(pc) =	sbr.ind lr, $3  }
0x3a: {  	_ = 	snop  }
0x3b: {  	_ = 	snop  }
0x3c: {  	p2 =	seq.s32 s10, $0x1;
	s10 =	sld [smem:$0x3FB7]  }
0x3d: {  	_ =	shalt  }
0x3e: {  	_ =	shalt  }
0x3f: {  	_ =	shalt  }
0x40: {  	_ =	shalt  }
0x41: {  	_ =	shalt  }
0x42: {  	_ =	shalt  }
0x43: {  	_ =	shalt  }
0x44: {  	_ =	shalt  }
0x45: {  	_ =	shalt  }
0x46: {  	_ =	shalt  }
0x47: {  	_ =	shalt  }
0x48: {  	_ =	shalt  }
0x49: {  	_ =	shalt  }
0x4a: {  	_ =	shalt  }
0x4b: {  	_ =	shalt  }
0x4c: {  	_ =	shalt  }
0x4d: {  	_ =	shalt  }
0x4e: {  	_ =	shalt  }
0x4f: {  	_ =	shalt  }
0x50: {  	_ =	shalt  }
0x51: {  	_ =	shalt  }
0x52: {  	_ =	shalt  }
0x53: {  	_ =	shalt  }
0x54: {  	_ =	shalt  }
0x55: {  	_ =	shalt  }
0x56: {  	_ =	shalt  }
0x57: {  	_ =	shalt  }
0x58: {  	_ =	shalt  }
0x59: {  	_ =	shalt  }
0x5a: {  	_ =	shalt  }
0x5b: {  	_ =	shalt  }
0x5c: {  	_ =	shalt  }
0x5d: {  	_ =	shalt  }
0x5e: {  	_ =	shalt  }
0x5f: {  	_ =	shalt  }
0x60: {  	_ =	shalt  }
0x61: {  	_ =	shalt  }
0x62: {  	_ =	shalt  }
0x63: {  	_ =	shalt  }
0x64: {  	_ =	shalt  }
0x65: {  	_ =	shalt  }
0x66: {  	_ =	shalt  }
0x67: {  	_ =	shalt  }
0x68: {  	_ =	shalt  }
0x69: {  	_ =	shalt  }
0x6a: {  	_ =	shalt  }
0x6b: {  	_ =	shalt  }
0x6c: {  	_ =	shalt  }
0x6d: {  	_ =	shalt  }
0x6e: {  	_ =	shalt  }
0x6f: {  	_ =	shalt  }
0x70: {  	_ =	shalt  }
0x71: {  	_ =	shalt  }
0x72: {  	_ =	shalt  }
0x73: {  	_ =	shalt  }
0x74: {  	_ =	shalt  }
0x75: {  	_ =	shalt  }
0x76: {  	_ =	shalt  }
0x77: {  	_ =	shalt  }
0x78: {  	_ =	shalt  }
0x79: {  	_ =	shalt  }
0x7a: {  	_ =	shalt  }
0x7b: {  	_ =	shalt  }
0x7c: {  	_ =	shalt  }
0x7d: {  	_ =	shalt  }
0x7e: {  	_ =	shalt  }
0x7f: {  	_ =	shalt  }
0x80: {  	_ =	shalt  }
0x81: {  	_ =	shalt  }
0x82: {  	_ =	shalt  }
0x83: {  	_ =	shalt  }
0x84: {  	_ =	shalt  }
0x85: {  	_ =	shalt  }
0x86: {  	_ =	shalt  }
0x87: {  	_ =	shalt  }
.Lfunc_end0:
.L_simem_size_0:
called_computation.1_lowered:
.L_overlay_start_0:
0x88: {  	s2 =	sld [smem:$0x3FD9]  }
0x89: {  	s3 =	sld [smem:$0x3FFE];
	_ =	sdelay $0x1  }
0x8a: {  	s1 =	srdreg.scid  }
0x8b: {  	s0 =	sand.u32 $0x1, s1  }
0x8c: {  	s17 =	sshll.u32 s0, $0xA;
	s2 =	sadd.s32 s3, s2  }
0x8d: {  	s2 =	sadd.s32 s2, s17  }
0x8e: {  	[smem:$0x3FC3] =	sst s2  }
0x8f: {  	_ = 	snop  }
0x90: {  	s2 =	sld [smem:$0x3FD0];
	(tm) =	ssettm $0x1  }
0x91: {  	s18 =	sld [smem:$0x3FFB];
	_ =	sdelay $0x3  }
0x92: {  	_ =	strace s18  }
0x93: {  	s3 =	sld [smem:$0x3FFC];
	_ =	sdelay $0x3  }
0x94: {  	_ =	strace s3  }
0x95: {  	s3 =	sld [smem:$0x3FFD];
	_ =	sdelay $0x3  }
0x96: {  	_ =	strace s3  }
0x97: {  	_ =	strace $0x8FFFFFFF  }
0x98: {  	s19 =	sld [smem:$0x3FDB];
	_ =	sdelay $0x1  }
0x99: {  	s4 =	simm.s32 $_scs_section_size  }
0x9a: {  	s5 =	simm.s32 $_size__tile_overlayer_lowered;
	s6 =	simm.s32 $_tile_overlayer_lowered  }
0x9b: {  	s22 =	simm.s32 $0x1BFF;
	s21 =	sshll.u32 s6, $0x1;
	s3 =	sadd.s32 s4, s19  }
0x9c: {  	s7 =	simm.s32 $0x0;
	s20 =	sshll.u32 s5, $0x1;
	s5 =	sadd.s32 s21, s3  }
0x9d: {  	[timem:s7], [sflag:s22] =	dma.local [hbm:s5], s20  }
0x9e: {  	_ =	swait.ge [sflag:s22], s20  }
0x9f: {  	s4 =	ssub.s32 $0x0, s20;
	[sflag:s22] =	ssyncset.done $0x0  }
0xa0: {  	[sflag:s22] =	ssyncadd.s32 s4;
	_ =	sdelay $0x1  }
0xa1: {  	s23 =	simm.s32 $0x1B8B  }
0xa2: {  	_ =	swait.ge [sflag:s23], $0x1  }
0xa3: {  	[sflag:s23] =	ssyncset.done $0x0  }
0xa4: {  	s25 =	simm.s32 $0x1B8E;
	s24 =	sld [smem:$0x3FFE];
	[sflag:s23] =	ssyncadd.s32 $0xFFFFFFFF  }
0xa5: {  	s26 =	simm.s32 $execute0_lowered;
	[smem:$0x3FD2] =	sst s25  }
0xa6: {  	s5 =	sshll.u32 s26, $0x1;
	_ =	strace $0x80000046;
	[dreg:$0x1] =	wrdreg $0xFFFFFFFF  }
0xa7: {  	s28 =	simm.s32 $_size_execute0_lowered;
	s3 =	sadd.s32 s3, s5;
	[dreg:$0x0] =	wrdreg $0x0  }
0xa8: {  	s5 =	sshll.u32 s28, $0x1;
	[dreg:$0x2] =	wrdreg s3  }
0xa9: {  	[dreg:$0x3] =	wrdreg s5  }
0xaa: {  	[dreg:$0x4] =	wrdreg $0xC0  }
0xab: {  	_ =	task [dreg:s7], $0x5FFFF  }
0xac: {  	[dreg:$0x1] =	wrdreg $0xFFFFFFFF  }
0xad: {  	[dreg:$0x0] =	wrdreg $0x60  }
0xae: {  	[dreg:$0x2] =	wrdreg s24  }
0xaf: {  	[dreg:$0x3] =	wrdreg s2  }
0xb0: {  	[dreg:$0x4] =	wrdreg $0x0  }
0xb1: {  	[dreg:$0x5] =	wrdreg $0x9  }
0xb2: {  	_ =	task.clear_ibuf [dreg:s7], $0x6FFFF;
	_ =	strace $0x90000046  }
0xb3: {  	s29 =	simm.s32 $0x9;
	_ =	strace $0x80000048  }
0xb4: {  	_ =	swait.ge [sflag:s29], $0x1  }
0xb5: {  	[sflag:s29] =	ssyncadd.s32 $0xFFFFFFFF  }
0xb6: {  	_ =	strace $0x90000048  }
0xb7: {  	_ =	sfence  }
0xb8: {  	s30 =	sld [smem:$0x0];
	_ =	sdelay $0x2  }
0xb9: {  	s31 =	sshll.u32 s1, $0xD;
	s1 =	sshrl.u32 s1, $0x2  }
0xba: {  	s3 =	sand.u32 $0x4000, s31;
	s1 =	sadd.s32 s1, s30  }
0xbb: {  	s0 =	sor.u32 s3, s0;
	s1 =	sshll.u32 s1, $0x11  }
0xbc: {  	s0 =	sor.u32 s1, s0  }
0xbd: {  	s0 =	sadd.s32 $0x8F2B, s0  }
0xbe: {  	[sflag:s0] =	ssyncadd.remote.s32 $0x1  }
0xbf: {  	_ =	sfence.sel $0xFFFF  }
0xc0: {  	[dreg:$0x0] =	wrdreg $0xFFFFFFFF;
	(pc) =	sbr.abs _section_cstart, $3  }
0xc1: {  	[dreg:$0x1] =	wrdreg $0xFFFFFFFF  }
0xc2: {  	_ =	task.clear_ibuf [dreg:s7], $0x2FFFF;
	_ =	strace $0x9FFFFFFF  }
0xc3: {  	(tm) =	ssettm $0x7FFFFFFF  }
tec
execute0_lowered:
.L_overlay_start_1:
0x0: {  	(tag) =	ssettag $0x1  }
0x1: {  	s0 =	rddreg [dreg:$0x0]  }
0x2: {  	s1 =	rddreg [dreg:$0x1]  }
0x3: {  	s2 =	rddreg [dreg:$0x2];
	s3 =	simm.s32 $0x0  }
0x4: {  	s4 =	srdreg.scid;
	s5 =	stileid.u32;
	s19 =	simm.s32 $0x9  }
0x5: {  	s28 =	simm.s32 $0x6B60;
	s29 =	simm.s32 $0x3;
	s30 =	simm.s32 $0x5  }
0x6: {  	s31 =	simm.s32 $0x8B60;
	[smem:$0x7FF] =	sst s3;
	s6 =	sand.u32 $0x1, s4  }
0x7: {  	s7 =	sshll.u32 s5, $0x1;
	s4 =	sadd.s32 $0xF43600, s0;
	s21 =	sadd.s32 $0x1200, s0  }
0x8: {  	p0 =	sne.s32 s5, $0x0;
	s5 =	simm.s32 $0x2;
	_ =	strace $0x80000047  }
0x9: {  	s8 =	ssub.s32 $0x2, s6;
	s9 =	sor.u32 s6, s7;
	[dreg:$0x4] =	wrdreg s21  }
0xa: {  	s6 =	sadd.s32 $0x2600, s0;
	s7 =	sadd.s32 $0x1B600, s0;
	s11 =	smul.u32 $0xC80, s9  }
0xb: {  	s17 =	sshrl.u32 @!p0 s2, $0x3;
	s21 =	simm.s32 $0x80;
	s10 =	sshrl.u32 s8, $0x1  }
0xc: {  	s22 =	ssub.s32 s8, s10;
	s8 =	smul.u32 $0xC8, s9;
	s23 =	sadd.s32 s6, s11  }
0xd: {  	s24 =	sor.u32 $0x10, s11;
	s25 =	sadd.s32 s7, s11;
	[dreg:$0x5] =	wrdreg s23  }
0xe: {  	s0 =	smax.u32 s22, $0x1;
	s22 =	simm.s32 $0x7;
	[dreg:$0x6] =	wrdreg s25  }
.Ltmp0:
0xf: {  	s26 =	sadd.s32 s6, s24;
	s9 =	sadd.s32 s7, s24;
	(pc) =	sbr.rel .LBB2_1-.Ltmp0, $4  }
0x10: {  	s13 =	sor.u32 $0x2, s8;
	s14 =	sor.u32 $0x3, s8;
	s15 =	sor.u32 $0x1, s8  }
0x11: {  	[dreg:$0x9] =	wrdreg s0;
	s24 =	simm.s32 $0x9E0;
	s25 =	simm.s32 $0xAE0  }
0x12: {  	s0 =	simm.s32 $0xAB60;
	s23 =	simm.s32 $0x8;
	[dreg:$0x7] =	wrdreg s26  }
0x13: {  	[dreg:$0x8] =	wrdreg s9;
	s26 =	simm.s32 $0x2B60;
	s9 =	simm.s32 $0x0  }
.LBB2_11:
0x14: {  	_ =	swait.ge [sflag:s22], $0x2000  }
0x15: {  	[sflag:s22] =	ssyncset.done $0x0  }
0x16: {  	[sflag:s22] =	ssyncadd.s32 $0xFFFFE000  }
0x17: {  	_ =	swait.ge [sflag:s23], $0x2000  }
0x18: {  	s9 =	sadd.s32 $0x1, s9;
	s10 =	rddreg [dreg:$0x9]  }
0x19: {  	p1 =	sne.s32 s9, s10  }
.Ltmp1:
0x1a: {  	_ = 	snop;
	(pc) =	sbr.rel @!p1 .LBB2_12-.Ltmp1, $3  }
0x1b: {  	_ =	sdelay $0x1  }
0x1c: {  	[sflag:s23] =	ssyncset.done $0x0  }
0x1d: {  	[sflag:s23] =	ssyncadd.s32 $0xFFFFE000  }
.LBB2_1:
0x1e: {  	s10 =	simm.s32 @!p0 $0x1C09;
	s11 =	rddreg [dreg:$0x4]  }
0x1f: {  	[spmem:s17], [sflag:s10] =	dma.local @!p0 [hbm:s11], $0x12C0  }
0x20: {  	s10 =	simm.s32 @!p0 $0x9  }
0x21: {  	_ =	swait.ge @!p0 [sflag:s10], $0x12C0  }
0x22: {  	[sflag:s10] =	ssyncset.done @!p0 $0x0  }
0x23: {  	[sflag:s10] =	ssyncadd.s32 @!p0 $0xFFFFED40  }
0x24: {  	[bflag:$0x0] =	sbarrier.arrive $0xFFFF  }
0x25: {  	s16 =	simm.s32 $0x960;
	s12 =	rddreg [dreg:$0x5]  }
0x26: {  	[tilespmem:s16], [sflag:$0x9] =	stream.linear.gather [hbm4b:s12+s3], $0x80, $0x38;
	[tilespmem:$0xCB60] =	vst v63  }
0x27: {  	_ =	swait.ge [sflag:s19], $0x80  }
0x28: {  	[sflag:s19] =	ssyncset.done $0x0  }
0x29: {  	s12 =	simm.s32 $0xA60;
	s18 =	rddreg [dreg:$0x6];
	[sflag:s19] =	ssyncadd.s32 $0xFFFFFF80  }
0x2a: {  	[tilespmem:s12], [sflag:$0x9] =	stream.linear.gather [hbm4b:s18+s3], $0x80, $0x38;
	[tilespmem:$0xCB60] =	vst v63  }
0x2b: {  	_ =	swait.ge [sflag:s19], $0x80  }
0x2c: {  	[sflag:s19] =	ssyncset.done $0x0  }
0x2d: {  	s20 =	simm.s32 $0xB60;
	[sflag:s19] =	ssyncadd.s32 $0xFFFFFF80  }
0x2e: {  	[tilespmem:s20], [sflag:$0x3] =	stream.indirect.gather [hbm4b:s4+s21], $0x40, s16, s21, $0xb8;
	[tilespmem:$0xCB60] =	vst v63  }
0x2f: {  	s16 =	simm.s32 $0x4B60  }
0x30: {  	[tilespmem:s16], [sflag:$0x5] =	stream.indirect.gather [spmem:s2], $0x40, s12, s21, $0xb8;
	[tilespmem:$0xCB60] =	vst v63  }
0x31: {  	s18 =	rddreg [dreg:$0x7]  }
0x32: {  	[tilespmem:s24], [sflag:$0x9] =	stream.linear.gather [hbm4b:s18+s3], $0x80, $0x38;
	[tilespmem:$0xCB60] =	vst v63  }
0x33: {  	_ =	swait.ge [sflag:s19], $0x80  }
0x34: {  	[sflag:s19] =	ssyncset.done $0x0  }
0x35: {  	s20 =	rddreg [dreg:$0x8];
	[sflag:s19] =	ssyncadd.s32 $0xFFFFFF80  }
0x36: {  	[tilespmem:s25], [sflag:$0x9] =	stream.linear.gather [hbm4b:s20+s3], $0x80, $0x38;
	[tilespmem:$0xCB60] =	vst v63  }
0x37: {  	_ =	swait.ge [sflag:s19], $0x80  }
0x38: {  	[sflag:s19] =	ssyncset.done $0x0  }
0x39: {  	[sflag:s19] =	ssyncadd.s32 $0xFFFFFF80  }
0x3a: {  	[tilespmem:s26], [sflag:$0x4] =	stream.indirect.gather [hbm4b:s4+s21], $0x40, s24, s21, $0xb8;
	[tilespmem:$0xCB60] =	vst v63  }
0x3b: {  	s18 =	simm.s32 $0x0  }
0x3c: {  	[tilespmem:s28], [sflag:$0x6] =	stream.indirect.gather [spmem:s2], $0x40, s25, s21, $0xb8;
	[tilespmem:$0xCB60] =	vst v63  }
.LBB2_2:
0x3d: {  	_ =	swait.ge [sflag:s29], $0x2000;
	s10 =	sshll.u32 s18, $0x1;
	p1 =	seq.s32 s18, $0x63  }
0x3e: {  	[sflag:s29] =	ssyncset.done $0x0;
	s11 =	sadd.s32 @!p1 s10, s13  }
0x3f: {  	s20 =	simm.s32 @!p1 $0x0;
	p2 =	seq.s32 @!p1 s18, $0x0;
	[sflag:s29] =	ssyncadd.s32 $0xFFFFE000  }
0x40: {  	s11 =	sshll.u32 @!p1 s11, $0x4;
	p2 =	por p1, !p2;
	_ =	swait.ge [sflag:s30], $0x2000  }
.Ltmp2:
0x41: {  	s11 =	sand.u32 @!p1 $0x1FFFFFE0, s11;
	[sflag:s30] =	ssyncset.done $0x0;
	(pc) =	sbr.rel @!p2 .LBB2_3-.Ltmp2, $4  }
0x42: {  	s16 =	simm.s32 @!p1 $0x960;
	s12 =	sadd.s32 @!p1 s6, s11;
	[sflag:s30] =	ssyncadd.s32 $0xFFFFE000  }
0x43: {  	[tilespmem:s16], [sflag:$0x1] =	stream.linear.gather @!p1 [hbm4b:s12+s20], $0x80, $0x38;
	[tilespmem:$0xCB60] =	vst v63  }
0x44: {  	s11 =	sadd.s32 @!p1 s7, s11;
	s12 =	simm.s32 @!p1 $0xA60  }
0x45: {  	[tilespmem:s12], [sflag:$0x1] =	stream.linear.gather @!p1 [hbm4b:s11+s20], $0x80, $0x38;
	[tilespmem:$0xCB60] =	vst v63  }
.Ltmp3:
0x46: {  	(pc) =	sbr.rel .LBB2_5-.Ltmp3, $4  }
0x47: {  	_ = 	snop  }
0x48: {  	_ =	swait.ge [sflag:s22], $0x2000  }
0x49: {  	[sflag:s22] =	ssyncset.done $0x0  }
0x4a: {  	p2 =	por $0x0, $0x0;
	[sflag:s22] =	ssyncadd.s32 $0xFFFFE000  }
.LBB2_3:
0x4b: {  	p2 =	por @!p1 $0x1, $0x1  }
.LBB2_5:
0x4c: {  	s11 =	simm.s32 $0x0  }
0x4d: {  	v0 =	vld [tilespmem:s11+$0xC50]  }
0x4e: {  	v1 =	vld [tilespmem:s11+$0x4C50]  }
0x4f: {  	v2 =	vld [tilespmem:s11+$0xB60]  }
0x50: {  	v3 =	vld [tilespmem:s11+$0x4B60]  }
0x51: {  	v4 =	vld [tilespmem:s11+$0xB70]  }
0x52: {  	v5 =	vld [tilespmem:s11+$0x4B70]  }
0x53: {  	v6 =	vld [tilespmem:s11+$0xB80]  }
0x54: {  	v7 =	vld [tilespmem:s11+$0xB90]  }
0x55: {  	v0 =	vadd.f32 v1, v0;
	v1 =	vld [tilespmem:s11+$0x4B80]  }
0x56: {  	v2 =	vadd.f32 v3, v2;
	v3 =	vld [tilespmem:s11+$0xBA0]  }
0x57: {  	[tilespmem:s11+$0x8C50] =	vst v0;
	v0 =	vld [tilespmem:s11+$0x4B90]  }
0x58: {  	[tilespmem:s11+$0x8B60] =	vst v2;
	v2 =	vadd.f32 v5, v4;
	v4 =	vld [tilespmem:s11+$0x4BA0]  }
0x59: {  	v5 =	vld [tilespmem:s11+$0x4BB0]  }
0x5a: {  	[tilespmem:s11+$0x8B70] =	vst v2;
	v2 =	vld [tilespmem:s11+$0xBB0];
	v1 =	vadd.f32 v1, v6  }
0x5b: {  	v6 =	vld [tilespmem:s11+$0x4BC0]  }
0x5c: {  	[tilespmem:s11+$0x8B80] =	vst v1;
	v0 =	vadd.f32 v0, v7;
	v1 =	vld [tilespmem:s11+$0xBC0]  }
0x5d: {  	v7 =	vld [tilespmem:s11+$0x4C10]  }
0x5e: {  	[tilespmem:s11+$0x8B90] =	vst v0;
	v0 =	vadd.f32 v4, v3;
	v3 =	vld [tilespmem:s11+$0xBD0]  }
0x5f: {  	v4 =	vld [tilespmem:s11+$0x4BD0]  }
0x60: {  	[tilespmem:s11+$0x8BA0] =	vst v0;
	v0 =	vadd.f32 v5, v2;
	v2 =	vld [tilespmem:s11+$0xBE0]  }
0x61: {  	v5 =	vld [tilespmem:s11+$0x4BE0]  }
0x62: {  	[tilespmem:s11+$0x8BB0] =	vst v0;
	v0 =	vadd.f32 v6, v1;
	v1 =	vld [tilespmem:s11+$0xBF0]  }
0x63: {  	v6 =	vld [tilespmem:s11+$0x4BF0]  }
0x64: {  	[tilespmem:s11+$0x8BC0] =	vst v0;
	v0 =	vadd.f32 v4, v3;
	v3 =	vld [tilespmem:s11+$0xC00]  }
0x65: {  	v4 =	vld [tilespmem:s11+$0x4C00]  }
0x66: {  	[tilespmem:s11+$0x8BD0] =	vst v0;
	v0 =	vadd.f32 v5, v2;
	v5 =	vld [tilespmem:s11+$0xC10]  }
0x67: {  	v8 =	vld [tilespmem:s11+$0x4C20]  }
0x68: {  	[tilespmem:s11+$0x8BE0] =	vst v0;
	v0 =	vadd.f32 v6, v1;
	v6 =	vld [tilespmem:s11+$0xC20]  }
0x69: {  	v2 =	vld [tilespmem:s11+$0xC30]  }
0x6a: {  	[tilespmem:s11+$0x8BF0] =	vst v0;
	v0 =	vadd.f32 v4, v3;
	v3 =	vld [tilespmem:s11+$0x4C30]  }
0x6b: {  	v4 =	vld [tilespmem:s11+$0x4C40];
	v5 =	vadd.f32 v7, v5  }
0x6c: {  	s12 =	simm.s32 $0x100;
	[tilespmem:s11+$0x8C00] =	vst v0;
	v0 =	vld [tilespmem:s11+$0xC40]  }
0x6d: {  	s20 =	simm.s32 $0x800;
	v1 =	vld [tilespmem:s12+$0xC50];
	[tilespmem:s11+$0x8C10] =	vst v5;
	v5 =	vadd.f32 v8, v6  }
.LBB2_6:
0x6e: {  	p3 =	sne.s32 s20, $0x7C00;
	v6 =	vld [tilespmem:s12+$0x4C50]  }
0x6f: {  	v7 =	vld [tilespmem:s12+$0xB60];
	[tilespmem:s11+$0x8C20] =	vst v5;
	v2 =	vadd.f32 v3, v2  }
0x70: {  	v3 =	vld [tilespmem:s12+$0x4B60]  }
0x71: {  	v5 =	vld [tilespmem:s12+$0xB70];
	[tilespmem:s11+$0x8C30] =	vst v2;
	v0 =	vadd.f32 v4, v0  }
0x72: {  	v2 =	vld [tilespmem:s12+$0x4B70]  }
0x73: {  	v4 =	vld [tilespmem:s12+$0xB80];
	v1 =	vadd.f32 v6, v1;
	[tilespmem:s11+$0x8C40] =	vst v0;
	s11 =	smov.u32 s12  }
0x74: {  	v0 =	vld [tilespmem:s11+$0x4B80]  }
0x75: {  	v3 =	vadd.f32 v3, v7;
	v6 =	vld [tilespmem:s11+$0xB90];
	[tilespmem:s11+$0x8C50] =	vst v1  }
0x76: {  	v1 =	vld [tilespmem:s11+$0x4B90]  }
0x77: {  	[tilespmem:s11+$0x8B60] =	vst v3;
	v2 =	vadd.f32 v2, v5;
	v3 =	vld [tilespmem:s11+$0xBA0]  }
0x78: {  	v5 =	vld [tilespmem:s11+$0x4BA0]  }
0x79: {  	[tilespmem:s11+$0x8B70] =	vst v2;
	v0 =	vadd.f32 v0, v4;
	v2 =	vld [tilespmem:s11+$0xBB0]  }
0x7a: {  	v4 =	vld [tilespmem:s11+$0x4BB0]  }
0x7b: {  	[tilespmem:s11+$0x8B80] =	vst v0;
	v0 =	vadd.f32 v1, v6;
	v1 =	vld [tilespmem:s11+$0xBC0]  }
0x7c: {  	v6 =	vld [tilespmem:s11+$0x4BC0]  }
0x7d: {  	[tilespmem:s11+$0x8B90] =	vst v0;
	v0 =	vadd.f32 v5, v3;
	v3 =	vld [tilespmem:s11+$0xBD0]  }
0x7e: {  	v5 =	vld [tilespmem:s11+$0x4BD0]  }
0x7f: {  	[tilespmem:s11+$0x8BA0] =	vst v0;
	v0 =	vadd.f32 v4, v2;
	v2 =	vld [tilespmem:s11+$0xBE0]  }
0x80: {  	v4 =	vld [tilespmem:s11+$0x4BE0]  }
0x81: {  	[tilespmem:s11+$0x8BB0] =	vst v0;
	v0 =	vadd.f32 v6, v1;
	v1 =	vld [tilespmem:s11+$0xBF0]  }
0x82: {  	v6 =	vld [tilespmem:s11+$0x4BF0]  }
0x83: {  	[tilespmem:s11+$0x8BC0] =	vst v0;
	v0 =	vadd.f32 v5, v3;
	v3 =	vld [tilespmem:s11+$0xC00]  }
0x84: {  	v5 =	vld [tilespmem:s11+$0x4C00]  }
0x85: {  	[tilespmem:s11+$0x8BD0] =	vst v0;
	v0 =	vadd.f32 v4, v2;
	v4 =	vld [tilespmem:s11+$0xC10]  }
0x86: {  	v7 =	vld [tilespmem:s11+$0x4C10]  }
0x87: {  	[tilespmem:s11+$0x8BE0] =	vst v0;
	v0 =	vadd.f32 v6, v1;
	v6 =	vld [tilespmem:s11+$0xC20]  }
0x88: {  	v8 =	vld [tilespmem:s11+$0x4C20]  }
.Ltmp4:
0x89: {  	[tilespmem:s11+$0x8BF0] =	vst v0;
	v0 =	vadd.f32 v5, v3;
	v2 =	vld [tilespmem:s11+$0xC30];
	(pc) =	sbr.rel @p3 .LBB2_6-.Ltmp4, $4  }
0x8a: {  	v3 =	vld [tilespmem:s11+$0x4C30]  }
0x8b: {  	[tilespmem:s11+$0x8C00] =	vst v0;
	v5 =	vadd.f32 v7, v4;
	v0 =	vld [tilespmem:s11+$0xC40]  }
0x8c: {  	s12 =	sshra.s32 s20, $0x2;
	v4 =	vld [tilespmem:s11+$0x4C40]  }
0x8d: {  	s20 =	sadd.s32 $0x400, s20;
	v1 =	vld [tilespmem:s12+$0xC50];
	[tilespmem:s11+$0x8C10] =	vst v5;
	v5 =	vadd.f32 v8, v6  }
0x8e: {  	v6 =	vld [tilespmem:s12+$0x4C50]  }
0x8f: {  	v7 =	vld [tilespmem:s12+$0xB60];
	[tilespmem:s11+$0x8C20] =	vst v5;
	v2 =	vadd.f32 v3, v2  }
0x90: {  	v3 =	vld [tilespmem:s12+$0x4B60]  }
0x91: {  	v5 =	vld [tilespmem:s12+$0xB70];
	[tilespmem:s11+$0x8C30] =	vst v2;
	v0 =	vadd.f32 v4, v0  }
0x92: {  	v2 =	vld [tilespmem:s12+$0x4B70]  }
0x93: {  	v4 =	vld [tilespmem:s12+$0xB80];
	[tilespmem:s11+$0x8C40] =	vst v0  }
0x94: {  	v0 =	vadd.f32 v6, v1;
	v1 =	vld [tilespmem:s12+$0x4B80]  }
0x95: {  	v6 =	vld [tilespmem:s12+$0xB90]  }
0x96: {  	v3 =	vadd.f32 v3, v7;
	[tilespmem:s12+$0x8C50] =	vst v0;
	v0 =	vld [tilespmem:s12+$0x4B90]  }
0x97: {  	v7 =	vld [tilespmem:s12+$0x4C40]  }
0x98: {  	[tilespmem:s12+$0x8B60] =	vst v3;
	v2 =	vadd.f32 v2, v5;
	v3 =	vld [tilespmem:s12+$0xBA0]  }
0x99: {  	v5 =	vld [tilespmem:s12+$0x4BA0]  }
0x9a: {  	[tilespmem:s12+$0x8B70] =	vst v2;
	v2 =	vld [tilespmem:s12+$0xBB0]  }
0x9b: {  	v1 =	vadd.f32 v1, v4;
	v4 =	vld [tilespmem:s12+$0x4BB0]  }
0x9c: {  	v0 =	vadd.f32 v0, v6;
	v6 =	vld [tilespmem:s12+$0x4BC0]  }
0x9d: {  	[tilespmem:s12+$0x8B80] =	vst v1;
	v1 =	vld [tilespmem:s12+$0xBC0]  }
0x9e: {  	[tilespmem:s12+$0x8B90] =	vst v0;
	v0 =	vadd.f32 v5, v3;
	v3 =	vld [tilespmem:s12+$0xBD0]  }
0x9f: {  	v5 =	vld [tilespmem:s12+$0x4BD0]  }
0xa0: {  	[tilespmem:s12+$0x8BA0] =	vst v0;
	v0 =	vadd.f32 v4, v2;
	v2 =	vld [tilespmem:s12+$0xBE0]  }
0xa1: {  	v4 =	vld [tilespmem:s12+$0x4BE0]  }
0xa2: {  	[tilespmem:s12+$0x8BB0] =	vst v0;
	v0 =	vadd.f32 v6, v1;
	v1 =	vld [tilespmem:s12+$0xBF0]  }
0xa3: {  	v6 =	vld [tilespmem:s12+$0x4BF0]  }
0xa4: {  	[tilespmem:s12+$0x8BC0] =	vst v0;
	v0 =	vadd.f32 v5, v3;
	v3 =	vld [tilespmem:s12+$0xC00]  }
0xa5: {  	v5 =	vld [tilespmem:s12+$0x4C00]  }
0xa6: {  	[tilespmem:s12+$0x8BD0] =	vst v0;
	v0 =	vadd.f32 v4, v2;
	v2 =	vld [tilespmem:s12+$0xC10]  }
0xa7: {  	v4 =	vld [tilespmem:s12+$0x4C10]  }
0xa8: {  	[tilespmem:s12+$0x8BE0] =	vst v0;
	v0 =	vadd.f32 v6, v1;
	v1 =	vld [tilespmem:s12+$0xC20]  }
0xa9: {  	v6 =	vld [tilespmem:s12+$0x4C20]  }
0xaa: {  	[tilespmem:s12+$0x8BF0] =	vst v0;
	v0 =	vadd.f32 v5, v3;
	v3 =	vld [tilespmem:s12+$0xC30]  }
0xab: {  	v5 =	vld [tilespmem:s12+$0x4C30]  }
0xac: {  	[tilespmem:s12+$0x8C00] =	vst v0;
	v0 =	vld [tilespmem:s12+$0xC40];
	_ =	sdelay $0x1  }
0xad: {  	v2 =	vadd.f32 v4, v2  }
0xae: {  	v1 =	vadd.f32 v6, v1  }
0xaf: {  	[tilespmem:s12+$0x8C10] =	vst v2;
	v2 =	vadd.f32 v5, v3  }
0xb0: {  	s20 =	sadd.s32 s8, s10;
	[tilespmem:s12+$0x8C20] =	vst v1;
	v0 =	vadd.f32 v7, v0  }
0xb1: {  	s11 =	sshll.u32 s20, $0xA;
	[tilespmem:s12+$0x8C30] =	vst v2  }
0xb2: {  	s11 =	sadd.s32 s1, s11;
	[tilespmem:s12+$0x8C40] =	vst v0  }
0xb3: {  	[hbm4b:s11+s3] =	stream.linear.scatter [tilespmem:s31], [sflag:$0x7], $0x2000, $0x38;
	[tilespmem:$0xCB60] =	vst v63  }
0xb4: {  	s11 =	simm.s32 @p1 $0x4  }
0xb5: {  	_ =	swait.ge @p1 [sflag:s11], $0x2000  }
0xb6: {  	[sflag:s11] =	ssyncset.done @p1 $0x0  }
0xb7: {  	[sflag:s11] =	ssyncadd.s32 @p1 $0xFFFFE000;
	s11 =	simm.s32 @p1 $0x6  }
0xb8: {  	_ =	swait.ge @p1 [sflag:s11], $0x2000  }
0xb9: {  	[sflag:s11] =	ssyncset.done @p1 $0x0  }
0xba: {  	[sflag:s11] =	ssyncadd.s32 @p1 $0xFFFFE000;
	s11 =	simm.s32 @!p1 $0x1  }
0xbb: {  	_ =	swait.ge @!p1 [sflag:s11], $0x80  }
0xbc: {  	[sflag:s11] =	ssyncset.done @!p1 $0x0  }
0xbd: {  	[sflag:s11] =	ssyncadd.s32 @!p1 $0xFFFFFF80  }
0xbe: {  	_ =	swait.ge @!p1 [sflag:s11], $0x80  }
0xbf: {  	s16 =	simm.s32 @!p1 $0xB60;
	[sflag:s11] =	ssyncset.done @!p1 $0x0  }
0xc0: {  	s12 =	simm.s32 @!p1 $0x960;
	[sflag:s11] =	ssyncadd.s32 @!p1 $0xFFFFFF80;
	s11 =	simm.s32 @!p1 $0x80  }
0xc1: {  	[tilespmem:s16], [sflag:$0x3] =	stream.indirect.gather @!p1 [hbm4b:s4+s11], $0x40, s12, s11, $0xb8;
	[tilespmem:$0xCB60] =	vst v63  }
0xc2: {  	s12 =	simm.s32 @!p1 $0xA60;
	s16 =	simm.s32 @!p1 $0x4B60  }
0xc3: {  	[tilespmem:s16], [sflag:$0x5] =	stream.indirect.gather @!p1 [spmem:s2], $0x40, s12, s11, $0xb8;
	[tilespmem:$0xCB60] =	vst v63  }
0xc4: {  	s11 =	simm.s32 @!p1 $0x4  }
0xc5: {  	_ =	swait.ge @!p1 [sflag:s11], $0x2000  }
0xc6: {  	[sflag:s11] =	ssyncset.done @!p1 $0x0  }
0xc7: {  	[sflag:s11] =	ssyncadd.s32 @!p1 $0xFFFFE000;
	s11 =	simm.s32 @!p1 $0x6  }
0xc8: {  	s12 =	sadd.s32 @!p1 s10, s14;
	_ =	swait.ge @!p1 [sflag:s11], $0x2000  }
0xc9: {  	s12 =	sshll.u32 @!p1 s12, $0x4;
	[sflag:s11] =	ssyncset.done @!p1 $0x0  }
0xca: {  	[sflag:s11] =	ssyncadd.s32 @!p1 $0xFFFFE000;
	s11 =	sand.u32 @!p1 $0x1FFFFFF0, s12  }
0xcb: {  	s20 =	simm.s32 @!p1 $0x9E0;
	s16 =	simm.s32 @!p1 $0x0;
	s12 =	sadd.s32 @!p1 s6, s11  }
0xcc: {  	[tilespmem:s20], [sflag:$0x2] =	stream.linear.gather @!p1 [hbm4b:s12+s16], $0x80, $0x38;
	[tilespmem:$0xCB60] =	vst v63  }
0xcd: {  	s11 =	sadd.s32 @!p1 s7, s11;
	s12 =	simm.s32 @!p1 $0xAE0  }
0xce: {  	[tilespmem:s12], [sflag:$0x2] =	stream.linear.gather @!p1 [hbm4b:s11+s16], $0x80, $0x38;
	[tilespmem:$0xCB60] =	vst v63  }
0xcf: {  	s11 =	simm.s32 @!p2 $0x8  }
0xd0: {  	_ =	swait.ge @!p2 [sflag:s11], $0x2000  }
0xd1: {  	[sflag:s11] =	ssyncset.done @!p2 $0x0  }
0xd2: {  	[sflag:s11] =	ssyncadd.s32 @!p2 $0xFFFFE000;
	s11 =	simm.s32 $0x0  }
0xd3: {  	v0 =	vld [tilespmem:s11+$0x2C50]  }
0xd4: {  	v1 =	vld [tilespmem:s11+$0x6C50]  }
0xd5: {  	v2 =	vld [tilespmem:s11+$0x2B60]  }
0xd6: {  	v3 =	vld [tilespmem:s11+$0x6B60]  }
0xd7: {  	v4 =	vld [tilespmem:s11+$0x2B70]  }
0xd8: {  	v5 =	vld [tilespmem:s11+$0x6B70]  }
0xd9: {  	v6 =	vld [tilespmem:s11+$0x2B80]  }
0xda: {  	v7 =	vld [tilespmem:s11+$0x2B90]  }
0xdb: {  	v0 =	vadd.f32 v1, v0;
	v1 =	vld [tilespmem:s11+$0x6B80]  }
0xdc: {  	v2 =	vadd.f32 v3, v2;
	v3 =	vld [tilespmem:s11+$0x2BA0]  }
0xdd: {  	[tilespmem:s11+$0xAC50] =	vst v0;
	v0 =	vld [tilespmem:s11+$0x6B90]  }
0xde: {  	[tilespmem:s11+$0xAB60] =	vst v2;
	v2 =	vadd.f32 v5, v4;
	v4 =	vld [tilespmem:s11+$0x6BA0]  }
0xdf: {  	v5 =	vld [tilespmem:s11+$0x6BB0]  }
0xe0: {  	[tilespmem:s11+$0xAB70] =	vst v2;
	v2 =	vld [tilespmem:s11+$0x2BB0];
	v1 =	vadd.f32 v1, v6  }
0xe1: {  	v6 =	vld [tilespmem:s11+$0x6BC0]  }
0xe2: {  	[tilespmem:s11+$0xAB80] =	vst v1;
	v0 =	vadd.f32 v0, v7;
	v1 =	vld [tilespmem:s11+$0x2BC0]  }
0xe3: {  	v7 =	vld [tilespmem:s11+$0x6C10]  }
0xe4: {  	[tilespmem:s11+$0xAB90] =	vst v0;
	v0 =	vadd.f32 v4, v3;
	v3 =	vld [tilespmem:s11+$0x2BD0]  }
0xe5: {  	v4 =	vld [tilespmem:s11+$0x6BD0]  }
0xe6: {  	[tilespmem:s11+$0xABA0] =	vst v0;
	v0 =	vadd.f32 v5, v2;
	v2 =	vld [tilespmem:s11+$0x2BE0]  }
0xe7: {  	v5 =	vld [tilespmem:s11+$0x6BE0]  }
0xe8: {  	[tilespmem:s11+$0xABB0] =	vst v0;
	v0 =	vadd.f32 v6, v1;
	v1 =	vld [tilespmem:s11+$0x2BF0]  }
0xe9: {  	v6 =	vld [tilespmem:s11+$0x6BF0]  }
0xea: {  	[tilespmem:s11+$0xABC0] =	vst v0;
	v0 =	vadd.f32 v4, v3;
	v3 =	vld [tilespmem:s11+$0x2C00]  }
0xeb: {  	v4 =	vld [tilespmem:s11+$0x6C00]  }
0xec: {  	[tilespmem:s11+$0xABD0] =	vst v0;
	v0 =	vadd.f32 v5, v2;
	v5 =	vld [tilespmem:s11+$0x2C10]  }
0xed: {  	v8 =	vld [tilespmem:s11+$0x6C20]  }
0xee: {  	[tilespmem:s11+$0xABE0] =	vst v0;
	v0 =	vadd.f32 v6, v1;
	v6 =	vld [tilespmem:s11+$0x2C20]  }
0xef: {  	v2 =	vld [tilespmem:s11+$0x2C30]  }
0xf0: {  	[tilespmem:s11+$0xABF0] =	vst v0;
	v0 =	vadd.f32 v4, v3;
	v3 =	vld [tilespmem:s11+$0x6C30]  }
0xf1: {  	v4 =	vld [tilespmem:s11+$0x6C40];
	v5 =	vadd.f32 v7, v5  }
0xf2: {  	s20 =	simm.s32 $0x100;
	[tilespmem:s11+$0xAC00] =	vst v0;
	v0 =	vld [tilespmem:s11+$0x2C40]  }
0xf3: {  	s12 =	simm.s32 $0x800;
	v1 =	vld [tilespmem:s20+$0x2C50];
	[tilespmem:s11+$0xAC10] =	vst v5;
	v5 =	vadd.f32 v8, v6  }
.LBB2_8:
0xf4: {  	p2 =	sne.s32 s12, $0x7C00;
	v6 =	vld [tilespmem:s20+$0x6C50]  }
0xf5: {  	v7 =	vld [tilespmem:s20+$0x2B60];
	[tilespmem:s11+$0xAC20] =	vst v5;
	v2 =	vadd.f32 v3, v2  }
0xf6: {  	v3 =	vld [tilespmem:s20+$0x6B60]  }
0xf7: {  	v5 =	vld [tilespmem:s20+$0x2B70];
	[tilespmem:s11+$0xAC30] =	vst v2;
	v0 =	vadd.f32 v4, v0  }
0xf8: {  	v2 =	vld [tilespmem:s20+$0x6B70]  }
0xf9: {  	v4 =	vld [tilespmem:s20+$0x2B80];
	v1 =	vadd.f32 v6, v1;
	[tilespmem:s11+$0xAC40] =	vst v0;
	s11 =	smov.u32 s20  }
0xfa: {  	v0 =	vld [tilespmem:s11+$0x6B80]  }
0xfb: {  	v3 =	vadd.f32 v3, v7;
	v6 =	vld [tilespmem:s11+$0x2B90];
	[tilespmem:s11+$0xAC50] =	vst v1  }
0xfc: {  	v1 =	vld [tilespmem:s11+$0x6B90]  }
0xfd: {  	[tilespmem:s11+$0xAB60] =	vst v3;
	v2 =	vadd.f32 v2, v5;
	v3 =	vld [tilespmem:s11+$0x2BA0]  }
0xfe: {  	v5 =	vld [tilespmem:s11+$0x6BA0]  }
0xff: {  	[tilespmem:s11+$0xAB70] =	vst v2;
	v0 =	vadd.f32 v0, v4;
	v2 =	vld [tilespmem:s11+$0x2BB0]  }
0x100: {  	v4 =	vld [tilespmem:s11+$0x6BB0]  }
0x101: {  	[tilespmem:s11+$0xAB80] =	vst v0;
	v0 =	vadd.f32 v1, v6;
	v1 =	vld [tilespmem:s11+$0x2BC0]  }
0x102: {  	v6 =	vld [tilespmem:s11+$0x6BC0]  }
0x103: {  	[tilespmem:s11+$0xAB90] =	vst v0;
	v0 =	vadd.f32 v5, v3;
	v3 =	vld [tilespmem:s11+$0x2BD0]  }
0x104: {  	v5 =	vld [tilespmem:s11+$0x6BD0]  }
0x105: {  	[tilespmem:s11+$0xABA0] =	vst v0;
	v0 =	vadd.f32 v4, v2;
	v2 =	vld [tilespmem:s11+$0x2BE0]  }
0x106: {  	v4 =	vld [tilespmem:s11+$0x6BE0]  }
0x107: {  	[tilespmem:s11+$0xABB0] =	vst v0;
	v0 =	vadd.f32 v6, v1;
	v1 =	vld [tilespmem:s11+$0x2BF0]  }
0x108: {  	v6 =	vld [tilespmem:s11+$0x6BF0]  }
0x109: {  	[tilespmem:s11+$0xABC0] =	vst v0;
	v0 =	vadd.f32 v5, v3;
	v3 =	vld [tilespmem:s11+$0x2C00]  }
0x10a: {  	v5 =	vld [tilespmem:s11+$0x6C00]  }
0x10b: {  	[tilespmem:s11+$0xABD0] =	vst v0;
	v0 =	vadd.f32 v4, v2;
	v4 =	vld [tilespmem:s11+$0x2C10]  }
0x10c: {  	v7 =	vld [tilespmem:s11+$0x6C10]  }
0x10d: {  	[tilespmem:s11+$0xABE0] =	vst v0;
	v0 =	vadd.f32 v6, v1;
	v6 =	vld [tilespmem:s11+$0x2C20]  }
0x10e: {  	v8 =	vld [tilespmem:s11+$0x6C20]  }
.Ltmp5:
0x10f: {  	[tilespmem:s11+$0xABF0] =	vst v0;
	v0 =	vadd.f32 v5, v3;
	v2 =	vld [tilespmem:s11+$0x2C30];
	(pc) =	sbr.rel @p2 .LBB2_8-.Ltmp5, $4  }
0x110: {  	v3 =	vld [tilespmem:s11+$0x6C30]  }
0x111: {  	[tilespmem:s11+$0xAC00] =	vst v0;
	v5 =	vadd.f32 v7, v4;
	v0 =	vld [tilespmem:s11+$0x2C40]  }
0x112: {  	s20 =	sshra.s32 s12, $0x2;
	v4 =	vld [tilespmem:s11+$0x6C40]  }
0x113: {  	s12 =	sadd.s32 $0x400, s12;
	v1 =	vld [tilespmem:s20+$0x2C50];
	[tilespmem:s11+$0xAC10] =	vst v5;
	v5 =	vadd.f32 v8, v6  }
0x114: {  	v6 =	vld [tilespmem:s20+$0x6C50]  }
0x115: {  	v7 =	vld [tilespmem:s20+$0x2B60];
	[tilespmem:s11+$0xAC20] =	vst v5;
	v2 =	vadd.f32 v3, v2  }
0x116: {  	v28 =	vld [tilespmem:s20+$0x6B60]  }
0x117: {  	v5 =	vld [tilespmem:s20+$0x2B70];
	[tilespmem:s11+$0xAC30] =	vst v2;
	v0 =	vadd.f32 v4, v0  }
0x118: {  	v2 =	vld [tilespmem:s20+$0x6B70]  }
0x119: {  	v29 =	vld [tilespmem:s20+$0x2B80];
	[tilespmem:s11+$0xAC40] =	vst v0  }
0x11a: {  	v31 =	vld [tilespmem:s20+$0x6B80]  }
0x11b: {  	v32 =	vld [tilespmem:s20+$0x2B90]  }
0x11c: {  	v33 =	vld [tilespmem:s20+$0x6B90]  }
0x11d: {  	v34 =	vld [tilespmem:s20+$0x2BA0]  }
0x11e: {  	v35 =	vld [tilespmem:s20+$0x6BA0]  }
0x11f: {  	v36 =	vld [tilespmem:s20+$0x2BB0]  }
0x120: {  	v37 =	vld [tilespmem:s20+$0x6BB0]  }
0x121: {  	v38 =	vld [tilespmem:s20+$0x2BC0]  }
0x122: {  	v39 =	vld [tilespmem:s20+$0x6BC0]  }
0x123: {  	v41 =	vld [tilespmem:s20+$0x2BD0]  }
0x124: {  	v42 =	vld [tilespmem:s20+$0x6BD0]  }
0x125: {  	v44 =	vld [tilespmem:s20+$0x2BE0]  }
0x126: {  	v45 =	vld [tilespmem:s20+$0x6BE0]  }
0x127: {  	v47 =	vld [tilespmem:s20+$0x2BF0]  }
0x128: {  	v30 =	vadd.f32 v6, v1;
	v48 =	vld [tilespmem:s20+$0x6BF0]  }
0x129: {  	v50 =	vld [tilespmem:s20+$0x2C00];
	v3 =	vadd.f32 v28, v7  }
0x12a: {  	v51 =	vld [tilespmem:s20+$0x6C00];
	[tilespmem:s20+$0xAC50] =	vst v30;
	v2 =	vadd.f32 v2, v5  }
0x12b: {  	v53 =	vld [tilespmem:s20+$0x2C10];
	[tilespmem:s20+$0xAB60] =	vst v3;
	v1 =	vadd.f32 v31, v29  }
0x12c: {  	v54 =	vld [tilespmem:s20+$0x6C10];
	[tilespmem:s20+$0xAB70] =	vst v2;
	v0 =	vadd.f32 v33, v32  }
0x12d: {  	v56 =	vld [tilespmem:s20+$0x2C20];
	v40 =	vadd.f32 v35, v34;
	[tilespmem:s20+$0xAB80] =	vst v1  }
0x12e: {  	v57 =	vld [tilespmem:s20+$0x6C20];
	v43 =	vadd.f32 v37, v36;
	[tilespmem:s20+$0xAB90] =	vst v0  }
0x12f: {  	v59 =	vld [tilespmem:s20+$0x2C30];
	v46 =	vadd.f32 v39, v38;
	[tilespmem:s20+$0xABA0] =	vst v40  }
0x130: {  	v60 =	vld [tilespmem:s20+$0x6C30];
	v49 =	vadd.f32 v42, v41;
	[tilespmem:s20+$0xABB0] =	vst v43  }
0x131: {  	v61 =	vld [tilespmem:s20+$0x2C40];
	v52 =	vadd.f32 v45, v44;
	[tilespmem:s20+$0xABC0] =	vst v46  }
0x132: {  	v62 =	vld [tilespmem:s20+$0x6C40];
	v55 =	vadd.f32 v48, v47;
	[tilespmem:s20+$0xABD0] =	vst v49  }
0x133: {  	v58 =	vadd.f32 v51, v50;
	[tilespmem:s20+$0xABE0] =	vst v52  }
0x134: {  	v2 =	vadd.f32 v54, v53;
	[tilespmem:s20+$0xABF0] =	vst v55  }
0x135: {  	v63 =	vadd.f32 v60, v59;
	[tilespmem:s20+$0xAC00] =	vst v58  }
.Ltmp6:
0x136: {  	s10 =	sadd.s32 s10, s15;
	v1 =	vadd.f32 v57, v56;
	[tilespmem:s20+$0xAC10] =	vst v2;
	(pc) =	sbr.rel @p1 .LBB2_11-.Ltmp6, $4  }
0x137: {  	s10 =	sshll.u32 s10, $0xA;
	v0 =	vadd.f32 v62, v61;
	[tilespmem:s20+$0xAC30] =	vst v63  }
0x138: {  	s10 =	sand.u32 $0x1FFFFC00, s10;
	[tilespmem:s20+$0xAC20] =	vst v1  }
0x139: {  	s10 =	sadd.s32 s1, s10;
	[tilespmem:s20+$0xAC40] =	vst v0  }
0x13a: {  	[hbm4b:s10+s3] =	stream.linear.scatter [tilespmem:s0], [sflag:$0x8], $0x2000, $0x38;
	[tilespmem:$0xCB60] =	vst v63  }
0x13b: {  	_ =	swait.ge [sflag:s5], $0x80  }
0x13c: {  	[sflag:s5] =	ssyncset.done $0x0  }
0x13d: {  	[sflag:s5] =	ssyncadd.s32 $0xFFFFFF80  }
0x13e: {  	_ =	swait.ge [sflag:s5], $0x80  }
.Ltmp7:
0x13f: {  	[sflag:s5] =	ssyncset.done $0x0;
	(pc) =	sbr.rel .LBB2_2-.Ltmp7, $4  }
0x140: {  	[sflag:s5] =	ssyncadd.s32 $0xFFFFFF80  }
0x141: {  	[tilespmem:s26], [sflag:$0x4] =	stream.indirect.gather [hbm4b:s4+s21], $0x40, s24, s21, $0xb8;
	[tilespmem:$0xCB60] =	vst v63  }
0x142: {  	s18 =	sadd.s32 $0x1, s18  }
0x143: {  	[tilespmem:s28], [sflag:$0x6] =	stream.indirect.gather [spmem:s2], $0x40, s25, s21, $0xb8;
	[tilespmem:$0xCB60] =	vst v63  }
.LBB2_12:
0x144: {  	_ =	sfence.sel $0x180000  }
0x145: {  	[bflag:$0x0] =	sbarrier.arrive $0xFFFF  }
0x146: {  	_ =	strace $0x90000047  }
0x147: {  	[bflag:$0x2] =	sbarrier.arrive $0xFFFF  }
0x148: {  	s0 =	rddreg [dreg:$0x3]  }
0x149: {  	s0 =	sadd.s32 @!p0 $0x100000, s0  }
0x14a: {  	[sflag:s0] =	ssyncadd.tile.s32 @!p0 $0x1;
	_ =	shalt  }
.Lfunc_end2:
_tile_overlayer_lowered:
.L_overlay_start_2:
0x14b: {  	(tag) =	ssettag $0x2  }
0x14c: {  	s0 =	rddreg [dreg:$0x0];
	s2 =	stileid.u32  }
0x14d: {  	s1 =	rddreg [dreg:$0x1];
	p0 =	sne.s32 s2, $0x0  }
0x14e: {  	s3 =	rddreg [dreg:$0x2];
	[bflag:$0x3] =	sbarrier.arrive $0xFFFF;
	s2 =	simm.s32 @!p0 $0x1C09  }
0x14f: {  	[timem:s3], [sflag:s2] =	dma.local @!p0 [hbm:s0], s1  }
0x150: {  	s0 =	simm.s32 @!p0 $0x9  }
0x151: {  	_ =	swait.ge @!p0 [sflag:s0], s1  }
0x152: {  	s1 =	ssub.s32 @!p0 $0x0, s1;
	[sflag:s0] =	ssyncset.done @!p0 $0x0  }
0x153: {  	[sflag:s0] =	ssyncadd.s32 @!p0 s1  }
0x154: {  	[bflag:$0x3] =	sbarrier.arrive $0xFFFF  }
0x155: {  	_ =	shalt  }

// kernel: sparse-core-data-format-call.cloned.1.call-start
scs
called_computation_lowered:
.L_overlay_start_0:
0x0: {  	s2 =	sld [smem:$0x3FD9]  }
0x1: {  	s3 =	sld [smem:$0x3FFE];
	_ =	sdelay $0x1  }
0x2: {  	s1 =	srdreg.scid  }
0x3: {  	s0 =	sand.u32 $0x1, s1  }
0x4: {  	s18 =	sshll.u32 s0, $0xA;
	s2 =	sadd.s32 s3, s2  }
0x5: {  	s2 =	sadd.s32 s2, s18  }
0x6: {  	[smem:$0x3FC3] =	sst s2  }
0x7: {  	_ = 	snop  }
0x8: {  	s2 =	sld [smem:$0x3FD0];
	(tm) =	ssettm $0x1  }
0x9: {  	s19 =	sld [smem:$0x3FFB];
	_ =	sdelay $0x3  }
0xa: {  	_ =	strace s19  }
0xb: {  	s3 =	sld [smem:$0x3FFC];
	_ =	sdelay $0x3  }
0xc: {  	_ =	strace s3  }
0xd: {  	s3 =	sld [smem:$0x3FFD];
	_ =	sdelay $0x3  }
0xe: {  	_ =	strace s3  }
0xf: {  	_ =	strace $0x8FFFFFFF  }
0x10: {  	s20 =	sld [smem:$0x3FDB];
	_ =	sdelay $0x1  }
0x11: {  	s4 =	simm.s32 $_scs_section_size  }
0x12: {  	s5 =	simm.s32 $_size__tile_overlayer_lowered;
	s6 =	simm.s32 $_tile_overlayer_lowered  }
0x13: {  	s23 =	simm.s32 $0x1BFF;
	s22 =	sshll.u32 s6, $0x1;
	s3 =	sadd.s32 s4, s20  }
0x14: {  	s7 =	simm.s32 $0x0;
	s21 =	sshll.u32 s5, $0x1;
	s5 =	sadd.s32 s22, s3  }
0x15: {  	[timem:s7], [sflag:s23] =	dma.local [hbm:s5], s21  }
0x16: {  	_ =	swait.ge [sflag:s23], s21  }
0x17: {  	s4 =	ssub.s32 $0x0, s21;
	[sflag:s23] =	ssyncset.done $0x0  }
0x18: {  	[sflag:s23] =	ssyncadd.s32 s4;
	_ =	sdelay $0x1  }
0x19: {  	s24 =	simm.s32 $0x1B8B  }
0x1a: {  	_ =	swait.ge [sflag:s24], $0x1  }
0x1b: {  	[sflag:s24] =	ssyncset.done $0x0  }
0x1c: {  	s26 =	simm.s32 $0x1B8E;
	s25 =	sld [smem:$0x3FFE];
	[sflag:s24] =	ssyncadd.s32 $0xFFFFFFFF  }
0x1d: {  	s27 =	simm.s32 $execute0_lowered;
	[smem:$0x3FD2] =	sst s26  }
0x1e: {  	s5 =	sshll.u32 s27, $0x1;
	_ =	strace $0x80000049;
	[dreg:$0x1] =	wrdreg $0xFFFFFFFF  }
0x1f: {  	s28 =	simm.s32 $_size_execute0_lowered;
	s3 =	sadd.s32 s3, s5;
	[dreg:$0x0] =	wrdreg $0x0  }
0x20: {  	s5 =	sshll.u32 s28, $0x1;
	[dreg:$0x2] =	wrdreg s3  }
0x21: {  	[dreg:$0x3] =	wrdreg s5  }
0x22: {  	[dreg:$0x4] =	wrdreg $0xC0  }
0x23: {  	_ =	task [dreg:s7], $0x5FFFF  }
0x24: {  	[dreg:$0x1] =	wrdreg $0xFFFFFFFF  }
0x25: {  	[dreg:$0x0] =	wrdreg $0x60  }
0x26: {  	[dreg:$0x2] =	wrdreg s25  }
0x27: {  	[dreg:$0x3] =	wrdreg s2  }
0x28: {  	[dreg:$0x4] =	wrdreg $0x9  }
0x29: {  	_ =	task.clear_ibuf [dreg:s7], $0x5FFFF;
	_ =	strace $0x90000049  }
0x2a: {  	s29 =	simm.s32 $0x9;
	_ =	strace $0x8000004B  }
0x2b: {  	_ =	swait.ge [sflag:s29], $0x1  }
0x2c: {  	[sflag:s29] =	ssyncadd.s32 $0xFFFFFFFF  }
0x2d: {  	_ =	strace $0x9000004B  }
0x2e: {  	_ =	sfence  }
0x2f: {  	s30 =	sld [smem:$0x0];
	_ =	sdelay $0x2  }
0x30: {  	s31 =	sshll.u32 s1, $0xD;
	s1 =	sshrl.u32 s1, $0x2  }
0x31: {  	s3 =	sand.u32 $0x4000, s31;
	s1 =	sadd.s32 s1, s30  }
0x32: {  	s0 =	sor.u32 s3, s0;
	s1 =	sshll.u32 s1, $0x11  }
0x33: {  	s0 =	sor.u32 s1, s0  }
0x34: {  	s0 =	sadd.s32 $0x8F2B, s0  }
0x35: {  	[sflag:s0] =	ssyncadd.remote.s32 $0x1  }
0x36: {  	_ =	sfence.sel $0xFFFF  }
0x37: {  	[dreg:$0x0] =	wrdreg $0xFFFFFFFF;
	(pc) =	sbr.abs _section_cstart, $3  }
0x38: {  	[dreg:$0x1] =	wrdreg $0xFFFFFFFF  }
0x39: {  	_ =	task.clear_ibuf [dreg:s7], $0x2FFFF;
	_ =	strace $0x9FFFFFFF  }
0x3a: {  	(tm) =	ssettm $0x7FFFFFFF  }
0x3b: {  	_ =	shalt  }
tec
execute0_lowered:
.L_overlay_start_1:
0x0: {  	(tag) =	ssettag $0x1  }
0x1: {  	s0 =	srdreg.scid  }
0x2: {  	s1 =	sshll.u32 s0, $0x4  }
0x3: {  	s0 =	stileid.u32;
	s1 =	sand.u32 $0x10, s1  }
0x4: {  	s1 =	sor.u32 s0, s1  }
0x5: {  	s6 =	rddreg [dreg:$0x0];
	s4 =	simm.s32 $0x1;
	s2 =	sshll.u32 s1, $0x7  }
0x6: {  	s7 =	simm.s32 $0x2;
	s12 =	simm.s32 $0x0;
	s1 =	ssub.s32 $0x1000, s2  }
0x7: {  	s8 =	simm.s32 $0x8000;
	s13 =	simm.s32 $0x0;
	s3 =	sand.u32 $0xF80, s1  }
0x8: {  	s9 =	simm.s32 $0x0;
	s5 =	sshrl.u32 s1, $0xC;
	p0 =	sne.s32 s3, $0x0  }
.Ltmp0:
0x9: {  	s1 =	rddreg [dreg:$0x2];
	s4 =	simm.s32 @!p0 $0x0;
	(pc) =	sbr.rel .LBB1_1-.Ltmp0, $4  }
0xa: {  	s11 =	simm.s32 $0x0;
	s3 =	rddreg [dreg:$0x1];
	s5 =	sadd.s32 s4, s5  }
0xb: {  	_ =	strace $0x8000004A;
	s4 =	simm.s32 $0x1;
	s5 =	smul.u32 $0xC8, s5  }
0xc: {  	s6 =	sadd.s32 $0x1200, s6;
	s10 =	smov.u32 s2;
	[sflag:s4] =	ssyncpa.u1 $0x0  }
0xd: {  	p0 =	por $0x0, $0x0;
	[sflag:s7] =	ssyncpa.u1 $0x0;
	s7 =	sor.u32 $0x1, s5  }
.LBB1_4:
0xe: {  	s16 =	sshll.u32 s13, $0x3;
	s17 =	sand.u32 $0x78, s13  }
0xf: {  	s30 =	sand.u32 $0x7E00, s13;
	s12 =	sshll.u32 s12, $0xF;
	s16 =	sand.u32 $0xC00, s16  }
0x10: {  	[tilespmem:s15+$0x810 ss:$0x81] =	vst.msk $0xffff, v2;
	s31 =	sand.u32 $0x7, s13;
	s16 =	sor.u32 s17, s16;
	s17 =	sadd.s32 s3, s30  }
0x11: {  	[tilespmem:s15+$0x1020 ss:$0x81] =	vst.msk $0xffff, v0;
	s13 =	sshll.u32 s31, $0x12;
	s12 =	sadd.s32 s12, s17;
	s16 =	sshrl.u32 s16, $0x3  }
0x12: {  	[tilespmem:s15+$0x0 ss:$0x81] =	vst.msk $0xffff, v1;
	s13 =	sor.u32 $0x400, s13;
	s12 =	sadd.s32 s16, s12  }
0x13: {  	[hbm4b:s12+s13] =	stream.strided.scatter [tilespmem:s14], [sflag:$0x2], $0x2000, s8, s13, $0x20;
	[tilespmem:$0x8080] =	vst v63  }
.LBB1_5:
0x14: {  	s14 =	sadd.s32 $0x1, s9  }
0x15: {  	s12 =	sadd.s32 $0x1000, s10;
	s16 =	smov.u32 s10;
	p2 =	sgt.s32 s14, $0xC7  }
0x16: {  	s16 =	smov.u32 @p2 s12  }
0x17: {  	s14 =	simm.s32 @p2 $0x0;
	p2 =	sgt.s32 s16, $0xFFF  }
0x18: {  	s16 =	smov.u32 @p2 s2;
	p2 =	sne.s32 s11, s7  }
.Ltmp1:
0x19: {  	p1 =	slt.u32 s11, $0x2;
	(pc) =	sbr.rel @!p2 .LBB1_6-.Ltmp1, $4  }
0x1a: {  	s15 =	simm.s32 @!p1 $0x2  }
0x1b: {  	s13 =	smov.u32 s10;
	p0 =	por !p0, !p0;
	_ =	swait.ge @!p1 [sflag:s15], $0x2000  }
0x1c: {  	s12 =	smov.u32 s9;
	[sflag:s15] =	ssyncset.done @!p1 $0x0;
	s9 =	smov.u32 s14  }
0x1d: {  	s11 =	sadd.s32 $0x1, s11;
	[sflag:s15] =	ssyncadd.s32 @!p1 $0xFFFFE000;
	s10 =	smov.u32 s16  }
.LBB1_1:
0x1e: {  	p1 =	sge.u32 s11, s5  }
0x1f: {  	s14 =	sand.u32 @!p1 $0x1FFFFFF, s9  }
0x20: {  	s15 =	smulhi.u32 @!p1 $0x147AE15, s14;
	_ =	sdelay $0x1  }
0x21: {  	s15 =	smul.u32 @!p1 $0xC8, s15  }
0x22: {  	s16 =	sxor.u32 @!p1 $0xFFFFFFFF, s11;
	s17 =	smul.u32 @!p1 $0xC80, s10  }
0x23: {  	s31 =	sadd.s32 $0xFFFFFFFF, s11;
	s16 =	sshll.u32 @!p1 s16, $0xD;
	s14 =	ssub.s32 @!p1 s14, s15  }
0x24: {  	s15 =	sand.u32 @!p1 $0x2000, s16;
	s16 =	sadd.s32 @!p1 s6, s17;
	s14 =	sshll.u32 @!p1 s14, $0x4  }
0x25: {  	s17 =	simm.s32 @!p1 $0x6400;
	s14 =	sadd.s32 @!p1 s14, s16;
	s16 =	simm.s32 @!p1 $0x40  }
0x26: {  	[tilespmem:s15], [sflag:$0x1] =	stream.strided.gather @!p1 [hbm4b:s14+s16], $0x2000, s17, s16, $0x38;
	[tilespmem:$0x8080] =	vst v63  }
0x27: {  	p1 =	sge.u32 s31, s5  }
.Ltmp2:
0x28: {  	_ = 	snop;
	(pc) =	sbr.rel @p1 .LBB1_5-.Ltmp2, $1  }
0x29: {  	_ =	sdelay $0x3  }
0x2a: {  	s14 =	simm.s32 $0x1  }
0x2b: {  	_ =	swait.ge [sflag:s4], $0x2000;
	s14 =	simm.s32 @!p0 $0x0  }
0x2c: {  	[sflag:s4] =	ssyncset.done $0x0;
	s15 =	sshll.u32 s14, $0xD  }
0x2d: {  	[sflag:s4] =	ssyncadd.s32 $0xFFFFE000;
	s18 =	sor.u32 $0x20, s15  }
0x2e: {  	s14 =	smul.u32 $0x8100, s14;
	v3 =	vld [tilespmem:s18+$0x10]  }
0x2f: {  	s30 =	sand.u32 $0x1, s11;
	v2 =	vld [tilespmem:s18+$0xFFFFFFF0]  }
0x30: {  	s15 =	smul.u32 $0x8100, s30;
	s14 =	sshrl.u32 s14, $0x2;
	v0 =	vld [tilespmem:s18+$0x0]  }
0x31: {  	v1 =	vld [tilespmem:s18+$0xFFFFFFE0];
	s16 =	sor.u32 $0x4000, s14  }
0x32: {  	s31 =	sshrl.u32 s15, $0x2;
	s15 =	sadd.s32 $0x0, s16  }
0x33: {  	s17 =	simm.s32 $0x4;
	s18 =	sadd.s32 $0x40, s18;
	s14 =	sor.u32 $0x4000, s31;
	[tilespmem:s15+$0x1830 ss:$0x81] =	vst.msk $0xffff, v3  }
.LBB1_3:
0x34: {  	v3 =	vld [tilespmem:s18+$0x10];
	p1 =	sne.s32 s17, $0x1FC;
	[tilespmem:s15+$0x810 ss:$0x81] =	vst.msk $0xffff, v2;
	s19 =	smov.u32 s17;
	s17 =	sadd.s32 $0x4, s17  }
.Ltmp3:
0x35: {  	v2 =	vld [tilespmem:s18+$0xFFFFFFF0];
	[tilespmem:s15+$0x1020 ss:$0x81] =	vst.msk $0xffff, v0;
	(pc) =	sbr.rel @p1 .LBB1_3-.Ltmp3, $4  }
0x36: {  	v0 =	vld [tilespmem:s18+$0x0];
	[tilespmem:s15+$0x0 ss:$0x81] =	vst.msk $0xffff, v1  }
0x37: {  	s15 =	sshra.s32 s19, $0x2;
	v1 =	vld [tilespmem:s18+$0xFFFFFFE0]  }
0x38: {  	s15 =	sadd.s32 s15, s16  }
0x39: {  	s18 =	sadd.s32 $0x40, s18;
	[tilespmem:s15+$0x1830 ss:$0x81] =	vst.msk $0xffff, v3  }
.Ltmp4:
0x3a: {  	_ = 	snop;
	(pc) =	sbr.rel .LBB1_4-.Ltmp4, $1  }
0x3b: {  	_ =	sdelay $0x3  }
.LBB1_6:
0x3c: {  	_ =	sfence.sel $0x180000  }
0x3d: {  	s2 =	simm.s32 $0x1;
	[bflag:$0x0] =	sbarrier.arrive $0xFFFF  }
0x3e: {  	s31 =	simm.s32 $0x2;
	[sflag:s2] =	ssyncpa.u1 $0x1  }
0x3f: {  	[sflag:s31] =	ssyncpa.u1 $0x1  }
0x40: {  	p0 =	sne.s32 s0, $0x0;
	_ =	strace $0x9000004A  }
0x41: {  	s0 =	sadd.s32 @!p0 $0x100000, s1;
	[bflag:$0x2] =	sbarrier.arrive $0xFFFF  }
0x42: {  	[sflag:s0] =	ssyncadd.tile.s32 @!p0 $0x1;
	_ =	shalt  }
.Lfunc_end1:
_tile_overlayer_lowered:
.L_overlay_start_2:
0x43: {  	(tag) =	ssettag $0x2  }
0x44: {  	s0 =	rddreg [dreg:$0x0];
	s2 =	stileid.u32  }
0x45: {  	s1 =	rddreg [dreg:$0x1];
	p0 =	sne.s32 s2, $0x0  }
0x46: {  	s3 =	rddreg [dreg:$0x2];
	[bflag:$0x3] =	sbarrier.arrive $0xFFFF;
	s2 =	simm.s32 @!p0 $0x1C01  }
0x47: {  	[timem:s3], [sflag:s2] =	dma.local @!p0 [hbm:s0], s1  }
0x48: {  	s0 =	simm.s32 @!p0 $0x1  }
0x49: {  	_ =	swait.ge @!p0 [sflag:s0], s1  }
0x4a: {  	s1 =	ssub.s32 @!p0 $0x0, s1;
	[sflag:s0] =	ssyncset.done @!p0 $0x0  }
0x4b: {  	[sflag:s0] =	ssyncadd.s32 @!p0 s1  }
0x4c: {  	[bflag:$0x3] =	sbarrier.arrive $0xFFFF  }
0x4d: {  	_ =	shalt  }

</sc_bundles>
